<compile_context>
chip_gen: v7x
topology: tpu7x:2x2x1
jax: 0.10.2.dev20260603
libtpu: 0.0.44.dev20260713+nightly
codegen_flags: <defaults>
</compile_context>

<pallas_src>
import jax
import jax.numpy as jnp
from jax import lax
from jax.experimental import pallas as pl
from jax.experimental.pallas import tpu as pltpu
from jax.experimental.pallas import tpu_sc as plsc

N = 10000
E = 320000
D = 128

NC = 2
NS = 16
NW = NC * NS

LPR = 128
ROWS_PER_TILE = 80
EDGES_PER_TILE = ROWS_PER_TILE * LPR
E_PAD = NW * EDGES_PER_TILE
N_PAD = 10240
ACC_ROWS = 10240

KB = 16


def _sc_mesh():
    return plsc.VectorSubcoreMesh(core_axis_name="c", subcore_axis_name="s")


def _sc_degree(dst2_hbm, out_hbm, deg_sh, idx_v, ones_v, zb_v, sem_d):
    i32 = jnp.int32
    c = lax.axis_index("c")
    s = lax.axis_index("s")
    wid = c * i32(NS) + s

    def _z(i, _):
        zb_v[pl.ds(i * i32(16), 16)] = jnp.zeros((16,), jnp.float32)
        return _
    lax.fori_loop(i32(0), i32((N_PAD // NS) // 16), _z, i32(0))
    pltpu.sync_copy(zb_v, deg_sh.at[pl.ds(s * i32(N_PAD // NS), N_PAD // NS)])

    def _o(i, _):
        ones_v[pl.ds(i * i32(16), 16)] = jnp.ones((16,), jnp.float32)
        return _
    lax.fori_loop(i32(0), i32(LPR // 16), _o, i32(0))

    plsc.subcore_barrier()

    rbase = wid * i32(ROWS_PER_TILE)

    def _chunk(k, _):
        pltpu.sync_copy(dst2_hbm.at[pl.ds(rbase + k * i32(KB), KB)], idx_v)

        def _row(j, _):
            pltpu.async_copy(ones_v, deg_sh.at[idx_v.at[j]], sem_d, add=True)
            return _
        lax.fori_loop(i32(0), i32(KB), _row, i32(0))

        def _drain(j, _):
            pltpu.make_async_copy(ones_v, deg_sh.at[idx_v.at[j]],
                                  sem_d).wait()
            return _
        lax.fori_loop(i32(0), i32(KB), _drain, i32(0))
        return _
    lax.fori_loop(i32(0), i32(ROWS_PER_TILE // KB), _chunk, i32(0))

    plsc.subcore_barrier()

    @pl.when(s == 0)
    def _():
        pltpu.sync_copy(deg_sh, out_hbm.at[c])


def _degree_partials(dst2):
    kern = pl.kernel(
        _sc_degree,
        out_type=jax.ShapeDtypeStruct((NC, N_PAD), jnp.float32),
        mesh=_sc_mesh(),
        name="sc_degree",
        scratch_types=[
            pltpu.VMEM_SHARED((N_PAD,), jnp.float32),
            pltpu.VMEM((KB, LPR), jnp.int32),
            pltpu.VMEM((LPR,), jnp.float32),
            pltpu.VMEM((N_PAD // NS,), jnp.float32),
            pltpu.SemaphoreType.DMA,
        ],
    )
    return kern(dst2)


def _tc_transform(x_ref, w_ref, b_ref, degp_ref, g_ref):
    h = lax.dot_general(x_ref[...], w_ref[...], (((1,), (1,)), ((), ())),
                        preferred_element_type=jnp.float32)
    h = h + b_ref[...]
    deg = degp_ref[0] + degp_ref[1] + 1.0
    dinv = lax.rsqrt(deg)
    g_ref[...] = h * dinv


def _transform(X, W, b2, degp3):
    R = 2000
    grid = (N // R,)
    return pl.pallas_call(
        _tc_transform,
        name="tc_transform",
        grid=grid,
        in_specs=[
            pl.BlockSpec((R, D), lambda i: (i, jnp.int32(0))),
            pl.BlockSpec((D, D), lambda i: (jnp.int32(0), jnp.int32(0))),
            pl.BlockSpec((1, D), lambda i: (jnp.int32(0), jnp.int32(0))),
            pl.BlockSpec((NC, R, 1), lambda i: (jnp.int32(0), i, jnp.int32(0))),
        ],
        out_specs=pl.BlockSpec((R, D), lambda i: (i, jnp.int32(0))),
        out_shape=jax.ShapeDtypeStruct((N, D), jnp.float32),
    )(X, W, b2, degp3)


def _sc_aggregate(g_hbm, src2_hbm, dst2_hbm, out_hbm,
                  acc_sh, src_v, dst_v, rows0_v, rows1_v, sem0, sem1):
    i32 = jnp.int32
    c = lax.axis_index("c")
    s = lax.axis_index("s")
    wid = c * i32(NS) + s

    def _z(i, _):
        rows0_v[i // i32(D // 16), pl.ds((i % i32(D // 16)) * i32(16), 16)] = (
            jnp.zeros((16,), jnp.float32))
        return _
    lax.fori_loop(i32(0), i32(LPR * (D // 16)), _z, i32(0))
    zrows = ACC_ROWS // NS

    def _zc(k, _):
        pltpu.sync_copy(rows0_v,
                        acc_sh.at[pl.ds(s * i32(zrows) + k * i32(LPR), LPR)])
        return _
    lax.fori_loop(i32(0), i32(zrows // LPR), _zc, i32(0))

    plsc.subcore_barrier()

    rbase = wid * i32(ROWS_PER_TILE)

    def _chunk(cidx, _):
        rb = rbase + cidx * i32(KB)
        pltpu.sync_copy(src2_hbm.at[pl.ds(rb, KB)], src_v)
        pltpu.sync_copy(dst2_hbm.at[pl.ds(rb, KB)], dst_v)
        pltpu.async_copy(g_hbm.at[src_v.at[i32(0)]], rows0_v, sem0)

        def _pair(k, _):
            j0 = k * i32(2)
            pltpu.make_async_copy(g_hbm.at[src_v.at[j0]], rows0_v,
                                  sem0).wait()
            pltpu.async_copy(g_hbm.at[src_v.at[j0 + i32(1)]], rows1_v, sem1)
            pltpu.sync_copy(rows0_v, acc_sh.at[dst_v.at[j0]], add=True)
            pltpu.make_async_copy(g_hbm.at[src_v.at[j0 + i32(1)]],
                                  rows1_v, sem1).wait()

            @pl.when(k < i32(KB // 2 - 1))
            def _prefetch():
                pltpu.async_copy(g_hbm.at[src_v.at[j0 + i32(2)]], rows0_v,
                                 sem0)
            pltpu.sync_copy(rows1_v, acc_sh.at[dst_v.at[j0 + i32(1)]],
                            add=True)
            return _
        lax.fori_loop(i32(0), i32(KB // 2), _pair, i32(0))
        return _
    lax.fori_loop(i32(0), i32(ROWS_PER_TILE // KB), _chunk, i32(0))

    plsc.subcore_barrier()

    wrows = ACC_ROWS // NS
    pltpu.sync_copy(acc_sh.at[pl.ds(s * i32(wrows), wrows)],
                    out_hbm.at[c, pl.ds(s * i32(wrows), wrows)])


def _aggregate_partials(G, src2, dst2):
    kern = pl.kernel(
        _sc_aggregate,
        out_type=jax.ShapeDtypeStruct((NC, ACC_ROWS, D), jnp.float32),
        mesh=_sc_mesh(),
        name="sc_aggregate",
        scratch_types=[
            pltpu.VMEM_SHARED((ACC_ROWS, D), jnp.float32),
            pltpu.VMEM((KB, LPR), jnp.int32),
            pltpu.VMEM((KB, LPR), jnp.int32),
            pltpu.VMEM((LPR, D), jnp.float32),
            pltpu.VMEM((LPR, D), jnp.float32),
            pltpu.SemaphoreType.DMA,
            pltpu.SemaphoreType.DMA,
        ],
    )
    return kern(G, src2, dst2)


def _tc_finalize(p_ref, g_ref, degp_ref, o_ref):
    deg = degp_ref[0] + degp_ref[1] + 1.0
    dinv = lax.rsqrt(deg)
    acc = (p_ref[0] + p_ref[1] + g_ref[...]) * dinv
    o_ref[...] = jnp.maximum(acc, 0.0)


def _finalize(P, SL, degp3):
    R = 2000
    grid = (N // R,)
    return pl.pallas_call(
        _tc_finalize,
        name="tc_finalize",
        grid=grid,
        in_specs=[
            pl.BlockSpec((NC, R, D), lambda i: (jnp.int32(0), i, jnp.int32(0))),
            pl.BlockSpec((R, D), lambda i: (i, jnp.int32(0))),
            pl.BlockSpec((NC, R, 1), lambda i: (jnp.int32(0), i, jnp.int32(0))),
        ],
        out_specs=pl.BlockSpec((R, D), lambda i: (i, jnp.int32(0))),
        out_shape=jax.ShapeDtypeStruct((N, D), jnp.float32),
    )(P, SL, degp3)


def kernel(X, edge_index, W, b):
    X = X.astype(jnp.float32)
    W = W.astype(jnp.float32)
    b2 = b.astype(jnp.float32).reshape(1, D)

    src = edge_index[0].astype(jnp.int32)
    dst = edge_index[1].astype(jnp.int32)
    pad = E_PAD - E
    iota = jnp.arange(pad, dtype=jnp.int32)
    src_p = jnp.concatenate([src, iota % N])
    dst_p = jnp.concatenate([dst, N + iota % (ACC_ROWS - N)])
    src2 = src_p.reshape(E_PAD // LPR, LPR)
    dst2 = dst_p.reshape(E_PAD // LPR, LPR)

    degp = _degree_partials(dst2)
    degp3 = degp.reshape(NC, N_PAD, 1)
    G = _transform(X, W, b2, degp3)
    P = _aggregate_partials(G, src2, dst2)
    return _finalize(P, G, degp3)

# --- scband reference (transcript-rebuilt; emitter-appended) ---
"""Pipeline reference for scband-gcnconv-40716289966348 (READ-ONLY COPY).

The authoritative reference and input builder live on the scoring server;
editing this copy changes nothing except your own understanding.
"""

import jax, jax.numpy as jnp
import numpy as np

jax.config.update("jax_enable_x64", True)

N = 10000
E = 320000
D_IN = 128
D_OUT = 128


def setup_inputs(seed: int = 0) -> dict:
    key = jax.random.key(seed)
    k1, k2, k3, k4 = jax.random.split(key, 4)
    X = jax.random.normal(k1, (N, D_IN), dtype=jnp.float32)
    edge_index = jax.random.randint(k2, (2, E), 0, N, dtype=jnp.int64)
    # nn.Linear(input_dim, output_dim) parameters: W [out, in], b [out]
    bound = 1.0 / np.sqrt(D_IN)
    W = jax.random.uniform(k3, (D_OUT, D_IN), dtype=jnp.float32, minval=-bound, maxval=bound)
    b = jax.random.uniform(k4, (D_OUT,), dtype=jnp.float32, minval=-bound, maxval=bound)
    return {"X": X, "edge_index": edge_index, "W": W, "b": b}


def reference(X, edge_index, W, b):
    # theta: linear transform
    H = X @ W.T + b
    # relationgraph.smoothing_with_GCN: symmetric-normalized adjacency (with self-loops)
    src = edge_index[0]
    dst = edge_index[1]
    loop = jnp.arange(N, dtype=src.dtype)
    src_all = jnp.concatenate([src, loop])
    dst_all = jnp.concatenate([dst, loop])
    ones = jnp.ones(src_all.shape[0], dtype=H.dtype)
    deg = jax.ops.segment_sum(ones, dst_all, num_segments=N)
    dinv = jnp.where(deg > 0, jax.lax.rsqrt(jnp.maximum(deg, 1e-12)), 0.0)
    norm = dinv[src_all] * dinv[dst_all]
    msgs = H[src_all] * norm[:, None]
    Xs = jax.ops.segment_sum(msgs, dst_all, num_segments=N)
    # act (ReLU); dropout is identity in eval mode
    return jnp.maximum(Xs, 0.0)

if __name__ == "__main__":
    import jax
    _d = setup_inputs()
    print(jax.jit(kernel)(*tuple(_d.values())))

</pallas_src>

<mosaic_0001>
#map = affine_map<(d0, d1) -> (0, 0)>
#map1 = affine_map<(d0, d1) -> (0, 0, 0)>
module attributes {stable_mosaic.version = 14 : i64} {
  func.func @sc_aggregate(%arg0: i32, %arg1: i32, %arg2: memref<10000x128xf32, #tpu.memory_space<hbm>>, %arg3: memref<2560x128xi32, #tpu.memory_space<hbm>>, %arg4: memref<2560x128xi32, #tpu.memory_space<hbm>>, %arg5: memref<2x10240x128xf32, #tpu.memory_space<hbm>>, %arg6: memref<10240x128xf32, #tpu.memory_space<vmem_shared>>, %arg7: memref<16x128xi32, #tpu.memory_space<vmem>>, %arg8: memref<16x128xi32, #tpu.memory_space<vmem>>, %arg9: memref<128x128xf32, #tpu.memory_space<vmem>>, %arg10: memref<128x128xf32, #tpu.memory_space<vmem>>, %arg11: memref<!tpu.dma_semaphore, #tpu.memory_space<semaphore_mem>>, %arg12: memref<!tpu.dma_semaphore, #tpu.memory_space<semaphore_mem>>) attributes {dimension_semantics = [#tpu.dimension_semantics<core_parallel>, #tpu.dimension_semantics<subcore_parallel>], iteration_bounds = array<i64: 2, 16>, scalar_prefetch = 0 : i64, scratch_operands = 7 : i64, tpu.core_type = #tpu.core_type<sc_vector_subcore>, window_params = [{transform_indices = #map}, {transform_indices = #map}, {transform_indices = #map}, {transform_indices = #map1}]} {
    %mul3A = arith.constant 16 : i32
    %mul3A_0 = arith.muli %arg0, %mul3A : i32
    %add3A = arith.addi %mul3A_0, %arg1 : i32
    %while3A = arith.constant 0 : i32
    %while3A_1 = arith.constant 0 : i32
    %while3A_2 = arith.constant 1024 : i32
    %while3A_3 = arith.subi %while3A_2, %while3A_1 : i32
    %while3A_4 = arith.addi %while3A_1, %while3A_3 : i32
    %while3A_5 = arith.constant 1 : i32
    %while3A_6 = arith.divsi %while3A_3, %while3A_5 : i32
    %while3A_7 = arith.muli %while3A_6, %while3A_5 : i32
    %while3A_8 = arith.addi %while3A_1, %while3A_7 : i32
    %while3A_9 = arith.constant 1 : i32
    scf.for %while3A_40 = %while3A_1 to %while3A_8 step %while3A_9  : i32 {
      %broadcast_in_dim3A = arith.constant 0.000000e+00 : f32
      %broadcast_in_dim3A_41 = vector.broadcast %broadcast_in_dim3A : f32 to vector<16xf32>
      %jit3A = arith.constant 8 : i32
      %div3A = arith.divsi %while3A_40, %jit3A : i32
      %sign3A = arith.constant 0 : i32
      %sign3A_42 = arith.cmpi sgt, %while3A_40, %sign3A : i32
      %sign3A_43 = arith.extui %sign3A_42 : i1 to i32
      %sign3A_44 = arith.constant 0 : i32
      %sign3A_45 = arith.cmpi slt, %while3A_40, %sign3A_44 : i32
      %sign3A_46 = arith.extui %sign3A_45 : i1 to i32
      %sign3A_47 = arith.subi %sign3A_43, %sign3A_46 : i32
      %sign3A_48 = arith.constant 0 : i32
      %sign3A_49 = arith.cmpi sgt, %jit3A, %sign3A_48 : i32
      %sign3A_50 = arith.extui %sign3A_49 : i1 to i32
      %sign3A_51 = arith.constant 0 : i32
      %sign3A_52 = arith.cmpi slt, %jit3A, %sign3A_51 : i32
      %sign3A_53 = arith.extui %sign3A_52 : i1 to i32
      %sign3A_54 = arith.subi %sign3A_50, %sign3A_53 : i32
      %ne3A = arith.cmpi ne, %sign3A_47, %sign3A_54 : i32
      %rem3A = arith.remsi %while3A_40, %jit3A : i32
      %ne3A_55 = arith.constant 0 : i32
      %ne3A_56 = arith.cmpi ne, %rem3A, %ne3A_55 : i32
      %and3A = arith.andi %ne3A, %ne3A_56 : i1
      %sub3A = arith.constant 1 : i32
      %sub3A_57 = arith.subi %div3A, %sub3A : i32
      %select_n3A = arith.select %and3A, %sub3A_57, %div3A : i32
      %jit3A_58 = arith.constant 8 : i32
      %eq3A = arith.constant 0 : i32
      %eq3A_59 = arith.cmpi eq, %jit3A_58, %eq3A : i32
      %jit3A_60 = arith.constant 1 : i32
      %select_n3A_61 = arith.select %eq3A_59, %jit3A_60, %jit3A_58 : i32
      %rem3A_62 = arith.remsi %while3A_40, %select_n3A_61 : i32
      %ne3A_63 = arith.constant 0 : i32
      %ne3A_64 = arith.cmpi ne, %rem3A_62, %ne3A_63 : i32
      %lt3A = arith.constant 0 : i32
      %lt3A_65 = arith.cmpi slt, %rem3A_62, %lt3A : i32
      %lt3A_66 = arith.constant 0 : i32
      %lt3A_67 = arith.cmpi slt, %select_n3A_61, %lt3A_66 : i32
      %ne3A_68 = arith.xori %lt3A_65, %lt3A_67 : i1
      %and3A_69 = arith.andi %ne3A_68, %ne3A_64 : i1
      %add3A_70 = arith.addi %rem3A_62, %select_n3A_61 : i32
      %select_n3A_71 = arith.select %and3A_69, %add3A_70, %rem3A_62 : i32
      %mul3A_72 = arith.constant 16 : i32
      %mul3A_73 = arith.muli %select_n3A_71, %mul3A_72 : i32
      %swap3A = arith.index_cast %select_n3A : i32 to index
      %swap3A_74 = arith.index_cast %mul3A_73 : i32 to index
      %swap3A_75 = tpu.vector_load %arg9[%swap3A, %swap3A_74] {strides = array<i32>} : memref<128x128xf32, #tpu.memory_space<vmem>>, vector<1x16xf32>,
      %swap3A_76 = vector.shape_cast %swap3A_75 : vector<1x16xf32> to vector<16xf32>
      %swap3A_77 = vector.shape_cast %broadcast_in_dim3A_41 : vector<16xf32> to vector<1x16xf32>
      tpu.vector_store %arg9[%swap3A, %swap3A_74], %swap3A_77 {strides = array<i32>} : memref<128x128xf32, #tpu.memory_space<vmem>>, vector<1x16xf32>,
    }
    %while3A_10 = arith.constant 1 : i32
    scf.for %while3A_40 = %while3A_8 to %while3A_4 step %while3A_10  : i32 {
      %broadcast_in_dim3A = arith.constant 0.000000e+00 : f32
      %broadcast_in_dim3A_41 = vector.broadcast %broadcast_in_dim3A : f32 to vector<16xf32>
      %jit3A = arith.constant 8 : i32
      %div3A = arith.divsi %while3A_40, %jit3A : i32
      %sign3A = arith.constant 0 : i32
      %sign3A_42 = arith.cmpi sgt, %while3A_40, %sign3A : i32
      %sign3A_43 = arith.extui %sign3A_42 : i1 to i32
      %sign3A_44 = arith.constant 0 : i32
      %sign3A_45 = arith.cmpi slt, %while3A_40, %sign3A_44 : i32
      %sign3A_46 = arith.extui %sign3A_45 : i1 to i32
      %sign3A_47 = arith.subi %sign3A_43, %sign3A_46 : i32
      %sign3A_48 = arith.constant 0 : i32
      %sign3A_49 = arith.cmpi sgt, %jit3A, %sign3A_48 : i32
      %sign3A_50 = arith.extui %sign3A_49 : i1 to i32
      %sign3A_51 = arith.constant 0 : i32
      %sign3A_52 = arith.cmpi slt, %jit3A, %sign3A_51 : i32
      %sign3A_53 = arith.extui %sign3A_52 : i1 to i32
      %sign3A_54 = arith.subi %sign3A_50, %sign3A_53 : i32
      %ne3A = arith.cmpi ne, %sign3A_47, %sign3A_54 : i32
      %rem3A = arith.remsi %while3A_40, %jit3A : i32
      %ne3A_55 = arith.constant 0 : i32
      %ne3A_56 = arith.cmpi ne, %rem3A, %ne3A_55 : i32
      %and3A = arith.andi %ne3A, %ne3A_56 : i1
      %sub3A = arith.constant 1 : i32
      %sub3A_57 = arith.subi %div3A, %sub3A : i32
      %select_n3A = arith.select %and3A, %sub3A_57, %div3A : i32
      %jit3A_58 = arith.constant 8 : i32
      %eq3A = arith.constant 0 : i32
      %eq3A_59 = arith.cmpi eq, %jit3A_58, %eq3A : i32
      %jit3A_60 = arith.constant 1 : i32
      %select_n3A_61 = arith.select %eq3A_59, %jit3A_60, %jit3A_58 : i32
      %rem3A_62 = arith.remsi %while3A_40, %select_n3A_61 : i32
      %ne3A_63 = arith.constant 0 : i32
      %ne3A_64 = arith.cmpi ne, %rem3A_62, %ne3A_63 : i32
      %lt3A = arith.constant 0 : i32
      %lt3A_65 = arith.cmpi slt, %rem3A_62, %lt3A : i32
      %lt3A_66 = arith.constant 0 : i32
      %lt3A_67 = arith.cmpi slt, %select_n3A_61, %lt3A_66 : i32
      %ne3A_68 = arith.xori %lt3A_65, %lt3A_67 : i1
      %and3A_69 = arith.andi %ne3A_68, %ne3A_64 : i1
      %add3A_70 = arith.addi %rem3A_62, %select_n3A_61 : i32
      %select_n3A_71 = arith.select %and3A_69, %add3A_70, %rem3A_62 : i32
      %mul3A_72 = arith.constant 16 : i32
      %mul3A_73 = arith.muli %select_n3A_71, %mul3A_72 : i32
      %swap3A = arith.index_cast %select_n3A : i32 to index
      %swap3A_74 = arith.index_cast %mul3A_73 : i32 to index
      %swap3A_75 = tpu.vector_load %arg9[%swap3A, %swap3A_74] {strides = array<i32>} : memref<128x128xf32, #tpu.memory_space<vmem>>, vector<1x16xf32>,
      %swap3A_76 = vector.shape_cast %swap3A_75 : vector<1x16xf32> to vector<16xf32>
      %swap3A_77 = vector.shape_cast %broadcast_in_dim3A_41 : vector<16xf32> to vector<1x16xf32>
      tpu.vector_store %arg9[%swap3A, %swap3A_74], %swap3A_77 {strides = array<i32>} : memref<128x128xf32, #tpu.memory_space<vmem>>, vector<1x16xf32>,
    }
    %while3A_11 = arith.constant 0 : i32
    %while3A_12 = arith.constant 0 : i32
    %while3A_13 = arith.constant 5 : i32
    %while3A_14 = arith.subi %while3A_13, %while3A_12 : i32
    %while3A_15 = arith.addi %while3A_12, %while3A_14 : i32
    %while3A_16 = arith.constant 1 : i32
    %while3A_17 = arith.divsi %while3A_14, %while3A_16 : i32
    %while3A_18 = arith.muli %while3A_17, %while3A_16 : i32
    %while3A_19 = arith.addi %while3A_12, %while3A_18 : i32
    %while3A_20 = arith.constant 1 : i32
    scf.for %while3A_40 = %while3A_12 to %while3A_19 step %while3A_20  : i32 {
      %mul3A_41 = arith.constant 640 : i32
      %mul3A_42 = arith.muli %arg1, %mul3A_41 : i32
      %mul3A_43 = arith.constant 128 : i32
      %mul3A_44 = arith.muli %while3A_40, %mul3A_43 : i32
      %add3A_45 = arith.addi %mul3A_42, %mul3A_44 : i32
      "tpu.region"() ({
        %run_scoped3A = tpu.sem_alloc : memref<!tpu.dma_semaphore, #tpu.memory_space<semaphore_mem>>
        %dma_start3A = arith.constant 0 : i32
        %dma_start3A_46 = tpu.memref_slice %arg6[%add3A_45, %dma_start3A] : memref<10240x128xf32, #tpu.memory_space<vmem_shared>> -> memref<128x128xf32, #tpu.memory_space<vmem_shared>>
        %dma_start3A_47 = arith.constant 0 : i32
        %dma_start3A_48 = tpu.memref_slice %arg6[%add3A_45, %dma_start3A_47] : memref<10240x128xf32, #tpu.memory_space<vmem_shared>> -> memref<128x128xf32, #tpu.memory_space<vmem_shared>>
        tpu.enqueue_dma source(%arg9 : memref<128x128xf32, #tpu.memory_space<vmem>>) target(%dma_start3A_48 : memref<128x128xf32, #tpu.memory_space<vmem_shared>>) target_semaphore(%run_scoped3A : memref<!tpu.dma_semaphore, #tpu.memory_space<semaphore_mem>>)
        %dma_wait3A = arith.constant 0 : i32
        %dma_wait3A_49 = tpu.memref_slice %arg6[%add3A_45, %dma_wait3A] : memref<10240x128xf32, #tpu.memory_space<vmem_shared>> -> memref<128x128xf32, #tpu.memory_space<vmem_shared>>
        %dma_wait3A_50 = arith.constant 0 : i32
        %dma_wait3A_51 = tpu.memref_slice %arg6[%add3A_45, %dma_wait3A_50] : memref<10240x128xf32, #tpu.memory_space<vmem_shared>> -> memref<128x128xf32, #tpu.memory_space<vmem_shared>>
        tpu.wait_dma2 semaphore(%run_scoped3A : memref<!tpu.dma_semaphore, #tpu.memory_space<semaphore_mem>>) src(%arg9 : memref<128x128xf32, #tpu.memory_space<vmem>>) dst(%dma_wait3A_51 : memref<128x128xf32, #tpu.memory_space<vmem_shared>>)
        tpu.yield
      }) : () -> ()
    }
    %while3A_21 = arith.constant 1 : i32
    scf.for %while3A_40 = %while3A_19 to %while3A_15 step %while3A_21  : i32 {
      %mul3A_41 = arith.constant 640 : i32
      %mul3A_42 = arith.muli %arg1, %mul3A_41 : i32
      %mul3A_43 = arith.constant 128 : i32
      %mul3A_44 = arith.muli %while3A_40, %mul3A_43 : i32
      %add3A_45 = arith.addi %mul3A_42, %mul3A_44 : i32
      "tpu.region"() ({
        %run_scoped3A = tpu.sem_alloc : memref<!tpu.dma_semaphore, #tpu.memory_space<semaphore_mem>>
        %dma_start3A = arith.constant 0 : i32
        %dma_start3A_46 = tpu.memref_slice %arg6[%add3A_45, %dma_start3A] : memref<10240x128xf32, #tpu.memory_space<vmem_shared>> -> memref<128x128xf32, #tpu.memory_space<vmem_shared>>
        %dma_start3A_47 = arith.constant 0 : i32
        %dma_start3A_48 = tpu.memref_slice %arg6[%add3A_45, %dma_start3A_47] : memref<10240x128xf32, #tpu.memory_space<vmem_shared>> -> memref<128x128xf32, #tpu.memory_space<vmem_shared>>
        tpu.enqueue_dma source(%arg9 : memref<128x128xf32, #tpu.memory_space<vmem>>) target(%dma_start3A_48 : memref<128x128xf32, #tpu.memory_space<vmem_shared>>) target_semaphore(%run_scoped3A : memref<!tpu.dma_semaphore, #tpu.memory_space<semaphore_mem>>)
        %dma_wait3A = arith.constant 0 : i32
        %dma_wait3A_49 = tpu.memref_slice %arg6[%add3A_45, %dma_wait3A] : memref<10240x128xf32, #tpu.memory_space<vmem_shared>> -> memref<128x128xf32, #tpu.memory_space<vmem_shared>>
        %dma_wait3A_50 = arith.constant 0 : i32
        %dma_wait3A_51 = tpu.memref_slice %arg6[%add3A_45, %dma_wait3A_50] : memref<10240x128xf32, #tpu.memory_space<vmem_shared>> -> memref<128x128xf32, #tpu.memory_space<vmem_shared>>
        tpu.wait_dma2 semaphore(%run_scoped3A : memref<!tpu.dma_semaphore, #tpu.memory_space<semaphore_mem>>) src(%arg9 : memref<128x128xf32, #tpu.memory_space<vmem>>) dst(%dma_wait3A_51 : memref<128x128xf32, #tpu.memory_space<vmem_shared>>)
        tpu.yield
      }) : () -> ()
    }
    %barrier3A = arith.constant 0 : index
    tpu.barrier barrier_id(%barrier3A)
    %mul3A_22 = arith.constant 80 : i32
    %mul3A_23 = arith.muli %add3A, %mul3A_22 : i32
    %while3A_24 = arith.constant 0 : i32
    %while3A_25 = arith.constant 0 : i32
    %while3A_26 = arith.constant 5 : i32
    %while3A_27 = arith.subi %while3A_26, %while3A_25 : i32
    %while3A_28 = arith.addi %while3A_25, %while3A_27 : i32
    %while3A_29 = arith.constant 1 : i32
    %while3A_30 = arith.divsi %while3A_27, %while3A_29 : i32
    %while3A_31 = arith.muli %while3A_30, %while3A_29 : i32
    %while3A_32 = arith.addi %while3A_25, %while3A_31 : i32
    %while3A_33 = arith.constant 1 : i32
    scf.for %while3A_40 = %while3A_25 to %while3A_32 step %while3A_33  : i32 {
      %mul3A_41 = arith.constant 16 : i32
      %mul3A_42 = arith.muli %while3A_40, %mul3A_41 : i32
      %add3A_43 = arith.addi %mul3A_23, %mul3A_42 : i32
      "tpu.region"() ({
        %run_scoped3A = tpu.sem_alloc : memref<!tpu.dma_semaphore, #tpu.memory_space<semaphore_mem>>
        %dma_start3A_61 = arith.constant 0 : i32
        %dma_start3A_62 = tpu.memref_slice %arg3[%add3A_43, %dma_start3A_61] : memref<2560x128xi32, #tpu.memory_space<hbm>> -> memref<16x128xi32, #tpu.memory_space<hbm>>
        %dma_start3A_63 = arith.constant 0 : i32
        %dma_start3A_64 = tpu.memref_slice %arg3[%add3A_43, %dma_start3A_63] : memref<2560x128xi32, #tpu.memory_space<hbm>> -> memref<16x128xi32, #tpu.memory_space<hbm>>
        tpu.enqueue_dma source(%dma_start3A_64 : memref<16x128xi32, #tpu.memory_space<hbm>>) target(%arg7 : memref<16x128xi32, #tpu.memory_space<vmem>>) target_semaphore(%run_scoped3A : memref<!tpu.dma_semaphore, #tpu.memory_space<semaphore_mem>>)
        %dma_wait3A = arith.constant 0 : i32
        %dma_wait3A_65 = tpu.memref_slice %arg3[%add3A_43, %dma_wait3A] : memref<2560x128xi32, #tpu.memory_space<hbm>> -> memref<16x128xi32, #tpu.memory_space<hbm>>
        %dma_wait3A_66 = arith.constant 0 : i32
        %dma_wait3A_67 = tpu.memref_slice %arg3[%add3A_43, %dma_wait3A_66] : memref<2560x128xi32, #tpu.memory_space<hbm>> -> memref<16x128xi32, #tpu.memory_space<hbm>>
        tpu.wait_dma2 semaphore(%run_scoped3A : memref<!tpu.dma_semaphore, #tpu.memory_space<semaphore_mem>>) src(%dma_wait3A_67 : memref<16x128xi32, #tpu.memory_space<hbm>>) dst(%arg7 : memref<16x128xi32, #tpu.memory_space<vmem>>)
        tpu.yield
      }) : () -> ()
      "tpu.region"() ({
        %run_scoped3A = tpu.sem_alloc : memref<!tpu.dma_semaphore, #tpu.memory_space<semaphore_mem>>
        %dma_start3A_61 = arith.constant 0 : i32
        %dma_start3A_62 = tpu.memref_slice %arg4[%add3A_43, %dma_start3A_61] : memref<2560x128xi32, #tpu.memory_space<hbm>> -> memref<16x128xi32, #tpu.memory_space<hbm>>
        %dma_start3A_63 = arith.constant 0 : i32
        %dma_start3A_64 = tpu.memref_slice %arg4[%add3A_43, %dma_start3A_63] : memref<2560x128xi32, #tpu.memory_space<hbm>> -> memref<16x128xi32, #tpu.memory_space<hbm>>
        tpu.enqueue_dma source(%dma_start3A_64 : memref<16x128xi32, #tpu.memory_space<hbm>>) target(%arg8 : memref<16x128xi32, #tpu.memory_space<vmem>>) target_semaphore(%run_scoped3A : memref<!tpu.dma_semaphore, #tpu.memory_space<semaphore_mem>>)
        %dma_wait3A = arith.constant 0 : i32
        %dma_wait3A_65 = tpu.memref_slice %arg4[%add3A_43, %dma_wait3A] : memref<2560x128xi32, #tpu.memory_space<hbm>> -> memref<16x128xi32, #tpu.memory_space<hbm>>
        %dma_wait3A_66 = arith.constant 0 : i32
        %dma_wait3A_67 = tpu.memref_slice %arg4[%add3A_43, %dma_wait3A_66] : memref<2560x128xi32, #tpu.memory_space<hbm>> -> memref<16x128xi32, #tpu.memory_space<hbm>>
        tpu.wait_dma2 semaphore(%run_scoped3A : memref<!tpu.dma_semaphore, #tpu.memory_space<semaphore_mem>>) src(%dma_wait3A_67 : memref<16x128xi32, #tpu.memory_space<hbm>>) dst(%arg8 : memref<16x128xi32, #tpu.memory_space<vmem>>)
        tpu.yield
      }) : () -> ()
      %dma_start3A = arith.constant 0 : i32
      %dma_start3A_44 = arith.constant 0 : i32
      %dma_start3A_45 = tpu.memref_slice %arg7[%dma_start3A, %dma_start3A_44] : memref<16x128xi32, #tpu.memory_space<vmem>> -> memref<1x128xi32, #tpu.memory_space<vmem>>
      %dma_start3A_46 = tpu.memref_squeeze %dma_start3A_45 : memref<1x128xi32, #tpu.memory_space<vmem>> -> memref<128xi32, #tpu.memory_space<vmem>>
      %dma_start3A_47 = arith.constant 0 : i32
      %dma_start3A_48 = arith.constant 0 : i32
      %dma_start3A_49 = tpu.memref_slice %arg2[%dma_start3A_47, %dma_start3A_48] : memref<10000x128xf32, #tpu.memory_space<hbm>> -> memref<10000x128xf32, #tpu.memory_space<hbm>>
      tpu.enqueue_indirect_dma source(%dma_start3A_49 : memref<10000x128xf32, #tpu.memory_space<hbm>>) target(%arg9 : memref<128x128xf32, #tpu.memory_space<vmem>>) offsets(%dma_start3A_46 : memref<128xi32, #tpu.memory_space<vmem>>) semaphore(%arg11 : memref<!tpu.dma_semaphore, #tpu.memory_space<semaphore_mem>>)
      %while3A_50 = arith.constant 0 : i32
      %while3A_51 = arith.constant 0 : i32
      %while3A_52 = arith.constant 8 : i32
      %while3A_53 = arith.subi %while3A_52, %while3A_51 : i32
      %while3A_54 = arith.addi %while3A_51, %while3A_53 : i32
      %while3A_55 = arith.constant 1 : i32
      %while3A_56 = arith.divsi %while3A_53, %while3A_55 : i32
      %while3A_57 = arith.muli %while3A_56, %while3A_55 : i32
      %while3A_58 = arith.addi %while3A_51, %while3A_57 : i32
      %while3A_59 = arith.constant 1 : i32
      scf.for %while3A_61 = %while3A_51 to %while3A_58 step %while3A_59  : i32 {
        %mul3A_62 = arith.constant 2 : i32
        %mul3A_63 = arith.muli %while3A_61, %mul3A_62 : i32
        %dma_wait3A = arith.constant 0 : i32
        %dma_wait3A_64 = tpu.memref_slice %arg7[%mul3A_63, %dma_wait3A] : memref<16x128xi32, #tpu.memory_space<vmem>> -> memref<1x128xi32, #tpu.memory_space<vmem>>
        %dma_wait3A_65 = tpu.memref_squeeze %dma_wait3A_64 : memref<1x128xi32, #tpu.memory_space<vmem>> -> memref<128xi32, #tpu.memory_space<vmem>>
        %dma_wait3A_66 = arith.constant 0 : i32
        %dma_wait3A_67 = arith.constant 0 : i32
        %dma_wait3A_68 = tpu.memref_slice %arg2[%dma_wait3A_66, %dma_wait3A_67] : memref<10000x128xf32, #tpu.memory_space<hbm>> -> memref<10000x128xf32, #tpu.memory_space<hbm>>
        tpu.wait_indirect_dma semaphore(%arg11 : memref<!tpu.dma_semaphore, #tpu.memory_space<semaphore_mem>>) src(%dma_wait3A_68 : memref<10000x128xf32, #tpu.memory_space<hbm>>) dst(%arg9 : memref<128x128xf32, #tpu.memory_space<vmem>>)
        %add3A_69 = arith.constant 1 : i32
        %add3A_70 = arith.addi %mul3A_63, %add3A_69 : i32
        %dma_start3A_71 = arith.constant 0 : i32
        %dma_start3A_72 = tpu.memref_slice %arg7[%add3A_70, %dma_start3A_71] : memref<16x128xi32, #tpu.memory_space<vmem>> -> memref<1x128xi32, #tpu.memory_space<vmem>>
        %dma_start3A_73 = tpu.memref_squeeze %dma_start3A_72 : memref<1x128xi32, #tpu.memory_space<vmem>> -> memref<128xi32, #tpu.memory_space<vmem>>
        %dma_start3A_74 = arith.constant 0 : i32
        %dma_start3A_75 = arith.constant 0 : i32
        %dma_start3A_76 = tpu.memref_slice %arg2[%dma_start3A_74, %dma_start3A_75] : memref<10000x128xf32, #tpu.memory_space<hbm>> -> memref<10000x128xf32, #tpu.memory_space<hbm>>
        tpu.enqueue_indirect_dma source(%dma_start3A_76 : memref<10000x128xf32, #tpu.memory_space<hbm>>) target(%arg10 : memref<128x128xf32, #tpu.memory_space<vmem>>) offsets(%dma_start3A_73 : memref<128xi32, #tpu.memory_space<vmem>>) semaphore(%arg12 : memref<!tpu.dma_semaphore, #tpu.memory_space<semaphore_mem>>)
        "tpu.region"() ({
          %run_scoped3A = tpu.sem_alloc : memref<!tpu.dma_semaphore, #tpu.memory_space<semaphore_mem>>
          %dma_start3A_89 = arith.constant 0 : i32
          %dma_start3A_90 = tpu.memref_slice %arg8[%mul3A_63, %dma_start3A_89] : memref<16x128xi32, #tpu.memory_space<vmem>> -> memref<1x128xi32, #tpu.memory_space<vmem>>
          %dma_start3A_91 = tpu.memref_squeeze %dma_start3A_90 : memref<1x128xi32, #tpu.memory_space<vmem>> -> memref<128xi32, #tpu.memory_space<vmem>>
          %dma_start3A_92 = arith.constant 0 : i32
          %dma_start3A_93 = arith.constant 0 : i32
          %dma_start3A_94 = tpu.memref_slice %arg6[%dma_start3A_92, %dma_start3A_93] : memref<10240x128xf32, #tpu.memory_space<vmem_shared>> -> memref<10240x128xf32, #tpu.memory_space<vmem_shared>>
          tpu.enqueue_indirect_dma source(%arg9 : memref<128x128xf32, #tpu.memory_space<vmem>>) target(%dma_start3A_94 : memref<10240x128xf32, #tpu.memory_space<vmem_shared>>) offsets(%dma_start3A_91 : memref<128xi32, #tpu.memory_space<vmem>>) semaphore(%run_scoped3A : memref<!tpu.dma_semaphore, #tpu.memory_space<semaphore_mem>>) {add = true}
          %dma_wait3A_95 = arith.constant 0 : i32
          %dma_wait3A_96 = tpu.memref_slice %arg8[%mul3A_63, %dma_wait3A_95] : memref<16x128xi32, #tpu.memory_space<vmem>> -> memref<1x128xi32, #tpu.memory_space<vmem>>
          %dma_wait3A_97 = tpu.memref_squeeze %dma_wait3A_96 : memref<1x128xi32, #tpu.memory_space<vmem>> -> memref<128xi32, #tpu.memory_space<vmem>>
          %dma_wait3A_98 = arith.constant 0 : i32
          %dma_wait3A_99 = arith.constant 0 : i32
          %dma_wait3A_100 = tpu.memref_slice %arg6[%dma_wait3A_98, %dma_wait3A_99] : memref<10240x128xf32, #tpu.memory_space<vmem_shared>> -> memref<10240x128xf32, #tpu.memory_space<vmem_shared>>
          tpu.wait_indirect_dma semaphore(%run_scoped3A : memref<!tpu.dma_semaphore, #tpu.memory_space<semaphore_mem>>) src(%arg9 : memref<128x128xf32, #tpu.memory_space<vmem>>) dst(%dma_wait3A_100 : memref<10240x128xf32, #tpu.memory_space<vmem_shared>>)
          tpu.yield
        }) : () -> ()
        %add3A_77 = arith.constant 1 : i32
        %add3A_78 = arith.addi %mul3A_63, %add3A_77 : i32
        %dma_wait3A_79 = arith.constant 0 : i32
        %dma_wait3A_80 = tpu.memref_slice %arg7[%add3A_78, %dma_wait3A_79] : memref<16x128xi32, #tpu.memory_space<vmem>> -> memref<1x128xi32, #tpu.memory_space<vmem>>
        %dma_wait3A_81 = tpu.memref_squeeze %dma_wait3A_80 : memref<1x128xi32, #tpu.memory_space<vmem>> -> memref<128xi32, #tpu.memory_space<vmem>>
        %dma_wait3A_82 = arith.constant 0 : i32
        %dma_wait3A_83 = arith.constant 0 : i32
        %dma_wait3A_84 = tpu.memref_slice %arg2[%dma_wait3A_82, %dma_wait3A_83] : memref<10000x128xf32, #tpu.memory_space<hbm>> -> memref<10000x128xf32, #tpu.memory_space<hbm>>
        tpu.wait_indirect_dma semaphore(%arg12 : memref<!tpu.dma_semaphore, #tpu.memory_space<semaphore_mem>>) src(%dma_wait3A_84 : memref<10000x128xf32, #tpu.memory_space<hbm>>) dst(%arg10 : memref<128x128xf32, #tpu.memory_space<vmem>>)
        %lt3A = arith.constant 7 : i32
        %lt3A_85 = arith.cmpi slt, %while3A_61, %lt3A : i32
        %convert_element_type3A = arith.extui %lt3A_85 : i1 to i32
        %cond3A = arith.constant 0 : i32
        %cond3A_86 = arith.cmpi ne, %convert_element_type3A, %cond3A : i32
        scf.if %cond3A_86 {
          %add3A_89 = arith.constant 2 : i32
          %add3A_90 = arith.addi %mul3A_63, %add3A_89 : i32
          %dma_start3A_91 = arith.constant 0 : i32
          %dma_start3A_92 = tpu.memref_slice %arg7[%add3A_90, %dma_start3A_91] : memref<16x128xi32, #tpu.memory_space<vmem>> -> memref<1x128xi32, #tpu.memory_space<vmem>>
          %dma_start3A_93 = tpu.memref_squeeze %dma_start3A_92 : memref<1x128xi32, #tpu.memory_space<vmem>> -> memref<128xi32, #tpu.memory_space<vmem>>
          %dma_start3A_94 = arith.constant 0 : i32
          %dma_start3A_95 = arith.constant 0 : i32
          %dma_start3A_96 = tpu.memref_slice %arg2[%dma_start3A_94, %dma_start3A_95] : memref<10000x128xf32, #tpu.memory_space<hbm>> -> memref<10000x128xf32, #tpu.memory_space<hbm>>
          tpu.enqueue_indirect_dma source(%dma_start3A_96 : memref<10000x128xf32, #tpu.memory_space<hbm>>) target(%arg9 : memref<128x128xf32, #tpu.memory_space<vmem>>) offsets(%dma_start3A_93 : memref<128xi32, #tpu.memory_space<vmem>>) semaphore(%arg11 : memref<!tpu.dma_semaphore, #tpu.memory_space<semaphore_mem>>)
        } else {
        }
        %add3A_87 = arith.constant 1 : i32
        %add3A_88 = arith.addi %mul3A_63, %add3A_87 : i32
        "tpu.region"() ({
          %run_scoped3A = tpu.sem_alloc : memref<!tpu.dma_semaphore, #tpu.memory_space<semaphore_mem>>
          %dma_start3A_89 = arith.constant 0 : i32
          %dma_start3A_90 = tpu.memref_slice %arg8[%add3A_88, %dma_start3A_89] : memref<16x128xi32, #tpu.memory_space<vmem>> -> memref<1x128xi32, #tpu.memory_space<vmem>>
          %dma_start3A_91 = tpu.memref_squeeze %dma_start3A_90 : memref<1x128xi32, #tpu.memory_space<vmem>> -> memref<128xi32, #tpu.memory_space<vmem>>
          %dma_start3A_92 = arith.constant 0 : i32
          %dma_start3A_93 = arith.constant 0 : i32
          %dma_start3A_94 = tpu.memref_slice %arg6[%dma_start3A_92, %dma_start3A_93] : memref<10240x128xf32, #tpu.memory_space<vmem_shared>> -> memref<10240x128xf32, #tpu.memory_space<vmem_shared>>
          tpu.enqueue_indirect_dma source(%arg10 : memref<128x128xf32, #tpu.memory_space<vmem>>) target(%dma_start3A_94 : memref<10240x128xf32, #tpu.memory_space<vmem_shared>>) offsets(%dma_start3A_91 : memref<128xi32, #tpu.memory_space<vmem>>) semaphore(%run_scoped3A : memref<!tpu.dma_semaphore, #tpu.memory_space<semaphore_mem>>) {add = true}
          %dma_wait3A_95 = arith.constant 0 : i32
          %dma_wait3A_96 = tpu.memref_slice %arg8[%add3A_88, %dma_wait3A_95] : memref<16x128xi32, #tpu.memory_space<vmem>> -> memref<1x128xi32, #tpu.memory_space<vmem>>
          %dma_wait3A_97 = tpu.memref_squeeze %dma_wait3A_96 : memref<1x128xi32, #tpu.memory_space<vmem>> -> memref<128xi32, #tpu.memory_space<vmem>>
          %dma_wait3A_98 = arith.constant 0 : i32
          %dma_wait3A_99 = arith.constant 0 : i32
          %dma_wait3A_100 = tpu.memref_slice %arg6[%dma_wait3A_98, %dma_wait3A_99] : memref<10240x128xf32, #tpu.memory_space<vmem_shared>> -> memref<10240x128xf32, #tpu.memory_space<vmem_shared>>
          tpu.wait_indirect_dma semaphore(%run_scoped3A : memref<!tpu.dma_semaphore, #tpu.memory_space<semaphore_mem>>) src(%arg10 : memref<128x128xf32, #tpu.memory_space<vmem>>) dst(%dma_wait3A_100 : memref<10240x128xf32, #tpu.memory_space<vmem_shared>>)
          tpu.yield
        }) : () -> ()
      }
      %while3A_60 = arith.constant 1 : i32
      scf.for %while3A_61 = %while3A_58 to %while3A_54 step %while3A_60  : i32 {
        %mul3A_62 = arith.constant 2 : i32
        %mul3A_63 = arith.muli %while3A_61, %mul3A_62 : i32
        %dma_wait3A = arith.constant 0 : i32
        %dma_wait3A_64 = tpu.memref_slice %arg7[%mul3A_63, %dma_wait3A] : memref<16x128xi32, #tpu.memory_space<vmem>> -> memref<1x128xi32, #tpu.memory_space<vmem>>
        %dma_wait3A_65 = tpu.memref_squeeze %dma_wait3A_64 : memref<1x128xi32, #tpu.memory_space<vmem>> -> memref<128xi32, #tpu.memory_space<vmem>>
        %dma_wait3A_66 = arith.constant 0 : i32
        %dma_wait3A_67 = arith.constant 0 : i32
        %dma_wait3A_68 = tpu.memref_slice %arg2[%dma_wait3A_66, %dma_wait3A_67] : memref<10000x128xf32, #tpu.memory_space<hbm>> -> memref<10000x128xf32, #tpu.memory_space<hbm>>
        tpu.wait_indirect_dma semaphore(%arg11 : memref<!tpu.dma_semaphore, #tpu.memory_space<semaphore_mem>>) src(%dma_wait3A_68 : memref<10000x128xf32, #tpu.memory_space<hbm>>) dst(%arg9 : memref<128x128xf32, #tpu.memory_space<vmem>>)
        %add3A_69 = arith.constant 1 : i32
        %add3A_70 = arith.addi %mul3A_63, %add3A_69 : i32
        %dma_start3A_71 = arith.constant 0 : i32
        %dma_start3A_72 = tpu.memref_slice %arg7[%add3A_70, %dma_start3A_71] : memref<16x128xi32, #tpu.memory_space<vmem>> -> memref<1x128xi32, #tpu.memory_space<vmem>>
        %dma_start3A_73 = tpu.memref_squeeze %dma_start3A_72 : memref<1x128xi32, #tpu.memory_space<vmem>> -> memref<128xi32, #tpu.memory_space<vmem>>
        %dma_start3A_74 = arith.constant 0 : i32
        %dma_start3A_75 = arith.constant 0 : i32
        %dma_start3A_76 = tpu.memref_slice %arg2[%dma_start3A_74, %dma_start3A_75] : memref<10000x128xf32, #tpu.memory_space<hbm>> -> memref<10000x128xf32, #tpu.memory_space<hbm>>
        tpu.enqueue_indirect_dma source(%dma_start3A_76 : memref<10000x128xf32, #tpu.memory_space<hbm>>) target(%arg10 : memref<128x128xf32, #tpu.memory_space<vmem>>) offsets(%dma_start3A_73 : memref<128xi32, #tpu.memory_space<vmem>>) semaphore(%arg12 : memref<!tpu.dma_semaphore, #tpu.memory_space<semaphore_mem>>)
        "tpu.region"() ({
          %run_scoped3A = tpu.sem_alloc : memref<!tpu.dma_semaphore, #tpu.memory_space<semaphore_mem>>
          %dma_start3A_89 = arith.constant 0 : i32
          %dma_start3A_90 = tpu.memref_slice %arg8[%mul3A_63, %dma_start3A_89] : memref<16x128xi32, #tpu.memory_space<vmem>> -> memref<1x128xi32, #tpu.memory_space<vmem>>
          %dma_start3A_91 = tpu.memref_squeeze %dma_start3A_90 : memref<1x128xi32, #tpu.memory_space<vmem>> -> memref<128xi32, #tpu.memory_space<vmem>>
          %dma_start3A_92 = arith.constant 0 : i32
          %dma_start3A_93 = arith.constant 0 : i32
          %dma_start3A_94 = tpu.memref_slice %arg6[%dma_start3A_92, %dma_start3A_93] : memref<10240x128xf32, #tpu.memory_space<vmem_shared>> -> memref<10240x128xf32, #tpu.memory_space<vmem_shared>>
          tpu.enqueue_indirect_dma source(%arg9 : memref<128x128xf32, #tpu.memory_space<vmem>>) target(%dma_start3A_94 : memref<10240x128xf32, #tpu.memory_space<vmem_shared>>) offsets(%dma_start3A_91 : memref<128xi32, #tpu.memory_space<vmem>>) semaphore(%run_scoped3A : memref<!tpu.dma_semaphore, #tpu.memory_space<semaphore_mem>>) {add = true}
          %dma_wait3A_95 = arith.constant 0 : i32
          %dma_wait3A_96 = tpu.memref_slice %arg8[%mul3A_63, %dma_wait3A_95] : memref<16x128xi32, #tpu.memory_space<vmem>> -> memref<1x128xi32, #tpu.memory_space<vmem>>
          %dma_wait3A_97 = tpu.memref_squeeze %dma_wait3A_96 : memref<1x128xi32, #tpu.memory_space<vmem>> -> memref<128xi32, #tpu.memory_space<vmem>>
          %dma_wait3A_98 = arith.constant 0 : i32
          %dma_wait3A_99 = arith.constant 0 : i32
          %dma_wait3A_100 = tpu.memref_slice %arg6[%dma_wait3A_98, %dma_wait3A_99] : memref<10240x128xf32, #tpu.memory_space<vmem_shared>> -> memref<10240x128xf32, #tpu.memory_space<vmem_shared>>
          tpu.wait_indirect_dma semaphore(%run_scoped3A : memref<!tpu.dma_semaphore, #tpu.memory_space<semaphore_mem>>) src(%arg9 : memref<128x128xf32, #tpu.memory_space<vmem>>) dst(%dma_wait3A_100 : memref<10240x128xf32, #tpu.memory_space<vmem_shared>>)
          tpu.yield
        }) : () -> ()
        %add3A_77 = arith.constant 1 : i32
        %add3A_78 = arith.addi %mul3A_63, %add3A_77 : i32
        %dma_wait3A_79 = arith.constant 0 : i32
        %dma_wait3A_80 = tpu.memref_slice %arg7[%add3A_78, %dma_wait3A_79] : memref<16x128xi32, #tpu.memory_space<vmem>> -> memref<1x128xi32, #tpu.memory_space<vmem>>
        %dma_wait3A_81 = tpu.memref_squeeze %dma_wait3A_80 : memref<1x128xi32, #tpu.memory_space<vmem>> -> memref<128xi32, #tpu.memory_space<vmem>>
        %dma_wait3A_82 = arith.constant 0 : i32
        %dma_wait3A_83 = arith.constant 0 : i32
        %dma_wait3A_84 = tpu.memref_slice %arg2[%dma_wait3A_82, %dma_wait3A_83] : memref<10000x128xf32, #tpu.memory_space<hbm>> -> memref<10000x128xf32, #tpu.memory_space<hbm>>
        tpu.wait_indirect_dma semaphore(%arg12 : memref<!tpu.dma_semaphore, #tpu.memory_space<semaphore_mem>>) src(%dma_wait3A_84 : memref<10000x128xf32, #tpu.memory_space<hbm>>) dst(%arg10 : memref<128x128xf32, #tpu.memory_space<vmem>>)
        %lt3A = arith.constant 7 : i32
        %lt3A_85 = arith.cmpi slt, %while3A_61, %lt3A : i32
        %convert_element_type3A = arith.extui %lt3A_85 : i1 to i32
        %cond3A = arith.constant 0 : i32
        %cond3A_86 = arith.cmpi ne, %convert_element_type3A, %cond3A : i32
        scf.if %cond3A_86 {
          %add3A_89 = arith.constant 2 : i32
          %add3A_90 = arith.addi %mul3A_63, %add3A_89 : i32
          %dma_start3A_91 = arith.constant 0 : i32
          %dma_start3A_92 = tpu.memref_slice %arg7[%add3A_90, %dma_start3A_91] : memref<16x128xi32, #tpu.memory_space<vmem>> -> memref<1x128xi32, #tpu.memory_space<vmem>>
          %dma_start3A_93 = tpu.memref_squeeze %dma_start3A_92 : memref<1x128xi32, #tpu.memory_space<vmem>> -> memref<128xi32, #tpu.memory_space<vmem>>
          %dma_start3A_94 = arith.constant 0 : i32
          %dma_start3A_95 = arith.constant 0 : i32
          %dma_start3A_96 = tpu.memref_slice %arg2[%dma_start3A_94, %dma_start3A_95] : memref<10000x128xf32, #tpu.memory_space<hbm>> -> memref<10000x128xf32, #tpu.memory_space<hbm>>
          tpu.enqueue_indirect_dma source(%dma_start3A_96 : memref<10000x128xf32, #tpu.memory_space<hbm>>) target(%arg9 : memref<128x128xf32, #tpu.memory_space<vmem>>) offsets(%dma_start3A_93 : memref<128xi32, #tpu.memory_space<vmem>>) semaphore(%arg11 : memref<!tpu.dma_semaphore, #tpu.memory_space<semaphore_mem>>)
        } else {
        }
        %add3A_87 = arith.constant 1 : i32
        %add3A_88 = arith.addi %mul3A_63, %add3A_87 : i32
        "tpu.region"() ({
          %run_scoped3A = tpu.sem_alloc : memref<!tpu.dma_semaphore, #tpu.memory_space<semaphore_mem>>
          %dma_start3A_89 = arith.constant 0 : i32
          %dma_start3A_90 = tpu.memref_slice %arg8[%add3A_88, %dma_start3A_89] : memref<16x128xi32, #tpu.memory_space<vmem>> -> memref<1x128xi32, #tpu.memory_space<vmem>>
          %dma_start3A_91 = tpu.memref_squeeze %dma_start3A_90 : memref<1x128xi32, #tpu.memory_space<vmem>> -> memref<128xi32, #tpu.memory_space<vmem>>
          %dma_start3A_92 = arith.constant 0 : i32
          %dma_start3A_93 = arith.constant 0 : i32
          %dma_start3A_94 = tpu.memref_slice %arg6[%dma_start3A_92, %dma_start3A_93] : memref<10240x128xf32, #tpu.memory_space<vmem_shared>> -> memref<10240x128xf32, #tpu.memory_space<vmem_shared>>
          tpu.enqueue_indirect_dma source(%arg10 : memref<128x128xf32, #tpu.memory_space<vmem>>) target(%dma_start3A_94 : memref<10240x128xf32, #tpu.memory_space<vmem_shared>>) offsets(%dma_start3A_91 : memref<128xi32, #tpu.memory_space<vmem>>) semaphore(%run_scoped3A : memref<!tpu.dma_semaphore, #tpu.memory_space<semaphore_mem>>) {add = true}
          %dma_wait3A_95 = arith.constant 0 : i32
          %dma_wait3A_96 = tpu.memref_slice %arg8[%add3A_88, %dma_wait3A_95] : memref<16x128xi32, #tpu.memory_space<vmem>> -> memref<1x128xi32, #tpu.memory_space<vmem>>
          %dma_wait3A_97 = tpu.memref_squeeze %dma_wait3A_96 : memref<1x128xi32, #tpu.memory_space<vmem>> -> memref<128xi32, #tpu.memory_space<vmem>>
          %dma_wait3A_98 = arith.constant 0 : i32
          %dma_wait3A_99 = arith.constant 0 : i32
          %dma_wait3A_100 = tpu.memref_slice %arg6[%dma_wait3A_98, %dma_wait3A_99] : memref<10240x128xf32, #tpu.memory_space<vmem_shared>> -> memref<10240x128xf32, #tpu.memory_space<vmem_shared>>
          tpu.wait_indirect_dma semaphore(%run_scoped3A : memref<!tpu.dma_semaphore, #tpu.memory_space<semaphore_mem>>) src(%arg10 : memref<128x128xf32, #tpu.memory_space<vmem>>) dst(%dma_wait3A_100 : memref<10240x128xf32, #tpu.memory_space<vmem_shared>>)
          tpu.yield
        }) : () -> ()
      }
    }
    %while3A_34 = arith.constant 1 : i32
    scf.for %while3A_40 = %while3A_32 to %while3A_28 step %while3A_34  : i32 {
      %mul3A_41 = arith.constant 16 : i32
      %mul3A_42 = arith.muli %while3A_40, %mul3A_41 : i32
      %add3A_43 = arith.addi %mul3A_23, %mul3A_42 : i32
      "tpu.region"() ({
        %run_scoped3A = tpu.sem_alloc : memref<!tpu.dma_semaphore, #tpu.memory_space<semaphore_mem>>
        %dma_start3A_61 = arith.constant 0 : i32
        %dma_start3A_62 = tpu.memref_slice %arg3[%add3A_43, %dma_start3A_61] : memref<2560x128xi32, #tpu.memory_space<hbm>> -> memref<16x128xi32, #tpu.memory_space<hbm>>
        %dma_start3A_63 = arith.constant 0 : i32
        %dma_start3A_64 = tpu.memref_slice %arg3[%add3A_43, %dma_start3A_63] : memref<2560x128xi32, #tpu.memory_space<hbm>> -> memref<16x128xi32, #tpu.memory_space<hbm>>
        tpu.enqueue_dma source(%dma_start3A_64 : memref<16x128xi32, #tpu.memory_space<hbm>>) target(%arg7 : memref<16x128xi32, #tpu.memory_space<vmem>>) target_semaphore(%run_scoped3A : memref<!tpu.dma_semaphore, #tpu.memory_space<semaphore_mem>>)
        %dma_wait3A = arith.constant 0 : i32
        %dma_wait3A_65 = tpu.memref_slice %arg3[%add3A_43, %dma_wait3A] : memref<2560x128xi32, #tpu.memory_space<hbm>> -> memref<16x128xi32, #tpu.memory_space<hbm>>
        %dma_wait3A_66 = arith.constant 0 : i32
        %dma_wait3A_67 = tpu.memref_slice %arg3[%add3A_43, %dma_wait3A_66] : memref<2560x128xi32, #tpu.memory_space<hbm>> -> memref<16x128xi32, #tpu.memory_space<hbm>>
        tpu.wait_dma2 semaphore(%run_scoped3A : memref<!tpu.dma_semaphore, #tpu.memory_space<semaphore_mem>>) src(%dma_wait3A_67 : memref<16x128xi32, #tpu.memory_space<hbm>>) dst(%arg7 : memref<16x128xi32, #tpu.memory_space<vmem>>)
        tpu.yield
      }) : () -> ()
      "tpu.region"() ({
        %run_scoped3A = tpu.sem_alloc : memref<!tpu.dma_semaphore, #tpu.memory_space<semaphore_mem>>
        %dma_start3A_61 = arith.constant 0 : i32
        %dma_start3A_62 = tpu.memref_slice %arg4[%add3A_43, %dma_start3A_61] : memref<2560x128xi32, #tpu.memory_space<hbm>> -> memref<16x128xi32, #tpu.memory_space<hbm>>
        %dma_start3A_63 = arith.constant 0 : i32
        %dma_start3A_64 = tpu.memref_slice %arg4[%add3A_43, %dma_start3A_63] : memref<2560x128xi32, #tpu.memory_space<hbm>> -> memref<16x128xi32, #tpu.memory_space<hbm>>
        tpu.enqueue_dma source(%dma_start3A_64 : memref<16x128xi32, #tpu.memory_space<hbm>>) target(%arg8 : memref<16x128xi32, #tpu.memory_space<vmem>>) target_semaphore(%run_scoped3A : memref<!tpu.dma_semaphore, #tpu.memory_space<semaphore_mem>>)
        %dma_wait3A = arith.constant 0 : i32
        %dma_wait3A_65 = tpu.memref_slice %arg4[%add3A_43, %dma_wait3A] : memref<2560x128xi32, #tpu.memory_space<hbm>> -> memref<16x128xi32, #tpu.memory_space<hbm>>
        %dma_wait3A_66 = arith.constant 0 : i32
        %dma_wait3A_67 = tpu.memref_slice %arg4[%add3A_43, %dma_wait3A_66] : memref<2560x128xi32, #tpu.memory_space<hbm>> -> memref<16x128xi32, #tpu.memory_space<hbm>>
        tpu.wait_dma2 semaphore(%run_scoped3A : memref<!tpu.dma_semaphore, #tpu.memory_space<semaphore_mem>>) src(%dma_wait3A_67 : memref<16x128xi32, #tpu.memory_space<hbm>>) dst(%arg8 : memref<16x128xi32, #tpu.memory_space<vmem>>)
        tpu.yield
      }) : () -> ()
      %dma_start3A = arith.constant 0 : i32
      %dma_start3A_44 = arith.constant 0 : i32
      %dma_start3A_45 = tpu.memref_slice %arg7[%dma_start3A, %dma_start3A_44] : memref<16x128xi32, #tpu.memory_space<vmem>> -> memref<1x128xi32, #tpu.memory_space<vmem>>
      %dma_start3A_46 = tpu.memref_squeeze %dma_start3A_45 : memref<1x128xi32, #tpu.memory_space<vmem>> -> memref<128xi32, #tpu.memory_space<vmem>>
      %dma_start3A_47 = arith.constant 0 : i32
      %dma_start3A_48 = arith.constant 0 : i32
      %dma_start3A_49 = tpu.memref_slice %arg2[%dma_start3A_47, %dma_start3A_48] : memref<10000x128xf32, #tpu.memory_space<hbm>> -> memref<10000x128xf32, #tpu.memory_space<hbm>>
      tpu.enqueue_indirect_dma source(%dma_start3A_49 : memref<10000x128xf32, #tpu.memory_space<hbm>>) target(%arg9 : memref<128x128xf32, #tpu.memory_space<vmem>>) offsets(%dma_start3A_46 : memref<128xi32, #tpu.memory_space<vmem>>) semaphore(%arg11 : memref<!tpu.dma_semaphore, #tpu.memory_space<semaphore_mem>>)
      %while3A_50 = arith.constant 0 : i32
      %while3A_51 = arith.constant 0 : i32
      %while3A_52 = arith.constant 8 : i32
      %while3A_53 = arith.subi %while3A_52, %while3A_51 : i32
      %while3A_54 = arith.addi %while3A_51, %while3A_53 : i32
      %while3A_55 = arith.constant 1 : i32
      %while3A_56 = arith.divsi %while3A_53, %while3A_55 : i32
      %while3A_57 = arith.muli %while3A_56, %while3A_55 : i32
      %while3A_58 = arith.addi %while3A_51, %while3A_57 : i32
      %while3A_59 = arith.constant 1 : i32
      scf.for %while3A_61 = %while3A_51 to %while3A_58 step %while3A_59  : i32 {
        %mul3A_62 = arith.constant 2 : i32
        %mul3A_63 = arith.muli %while3A_61, %mul3A_62 : i32
        %dma_wait3A = arith.constant 0 : i32
        %dma_wait3A_64 = tpu.memref_slice %arg7[%mul3A_63, %dma_wait3A] : memref<16x128xi32, #tpu.memory_space<vmem>> -> memref<1x128xi32, #tpu.memory_space<vmem>>
        %dma_wait3A_65 = tpu.memref_squeeze %dma_wait3A_64 : memref<1x128xi32, #tpu.memory_space<vmem>> -> memref<128xi32, #tpu.memory_space<vmem>>
        %dma_wait3A_66 = arith.constant 0 : i32
        %dma_wait3A_67 = arith.constant 0 : i32
        %dma_wait3A_68 = tpu.memref_slice %arg2[%dma_wait3A_66, %dma_wait3A_67] : memref<10000x128xf32, #tpu.memory_space<hbm>> -> memref<10000x128xf32, #tpu.memory_space<hbm>>
        tpu.wait_indirect_dma semaphore(%arg11 : memref<!tpu.dma_semaphore, #tpu.memory_space<semaphore_mem>>) src(%dma_wait3A_68 : memref<10000x128xf32, #tpu.memory_space<hbm>>) dst(%arg9 : memref<128x128xf32, #tpu.memory_space<vmem>>)
        %add3A_69 = arith.constant 1 : i32
        %add3A_70 = arith.addi %mul3A_63, %add3A_69 : i32
        %dma_start3A_71 = arith.constant 0 : i32
        %dma_start3A_72 = tpu.memref_slice %arg7[%add3A_70, %dma_start3A_71] : memref<16x128xi32, #tpu.memory_space<vmem>> -> memref<1x128xi32, #tpu.memory_space<vmem>>
        %dma_start3A_73 = tpu.memref_squeeze %dma_start3A_72 : memref<1x128xi32, #tpu.memory_space<vmem>> -> memref<128xi32, #tpu.memory_space<vmem>>
        %dma_start3A_74 = arith.constant 0 : i32
        %dma_start3A_75 = arith.constant 0 : i32
        %dma_start3A_76 = tpu.memref_slice %arg2[%dma_start3A_74, %dma_start3A_75] : memref<10000x128xf32, #tpu.memory_space<hbm>> -> memref<10000x128xf32, #tpu.memory_space<hbm>>
        tpu.enqueue_indirect_dma source(%dma_start3A_76 : memref<10000x128xf32, #tpu.memory_space<hbm>>) target(%arg10 : memref<128x128xf32, #tpu.memory_space<vmem>>) offsets(%dma_start3A_73 : memref<128xi32, #tpu.memory_space<vmem>>) semaphore(%arg12 : memref<!tpu.dma_semaphore, #tpu.memory_space<semaphore_mem>>)
        "tpu.region"() ({
          %run_scoped3A = tpu.sem_alloc : memref<!tpu.dma_semaphore, #tpu.memory_space<semaphore_mem>>
          %dma_start3A_89 = arith.constant 0 : i32
          %dma_start3A_90 = tpu.memref_slice %arg8[%mul3A_63, %dma_start3A_89] : memref<16x128xi32, #tpu.memory_space<vmem>> -> memref<1x128xi32, #tpu.memory_space<vmem>>
          %dma_start3A_91 = tpu.memref_squeeze %dma_start3A_90 : memref<1x128xi32, #tpu.memory_space<vmem>> -> memref<128xi32, #tpu.memory_space<vmem>>
          %dma_start3A_92 = arith.constant 0 : i32
          %dma_start3A_93 = arith.constant 0 : i32
          %dma_start3A_94 = tpu.memref_slice %arg6[%dma_start3A_92, %dma_start3A_93] : memref<10240x128xf32, #tpu.memory_space<vmem_shared>> -> memref<10240x128xf32, #tpu.memory_space<vmem_shared>>
          tpu.enqueue_indirect_dma source(%arg9 : memref<128x128xf32, #tpu.memory_space<vmem>>) target(%dma_start3A_94 : memref<10240x128xf32, #tpu.memory_space<vmem_shared>>) offsets(%dma_start3A_91 : memref<128xi32, #tpu.memory_space<vmem>>) semaphore(%run_scoped3A : memref<!tpu.dma_semaphore, #tpu.memory_space<semaphore_mem>>) {add = true}
          %dma_wait3A_95 = arith.constant 0 : i32
          %dma_wait3A_96 = tpu.memref_slice %arg8[%mul3A_63, %dma_wait3A_95] : memref<16x128xi32, #tpu.memory_space<vmem>> -> memref<1x128xi32, #tpu.memory_space<vmem>>
          %dma_wait3A_97 = tpu.memref_squeeze %dma_wait3A_96 : memref<1x128xi32, #tpu.memory_space<vmem>> -> memref<128xi32, #tpu.memory_space<vmem>>
          %dma_wait3A_98 = arith.constant 0 : i32
          %dma_wait3A_99 = arith.constant 0 : i32
          %dma_wait3A_100 = tpu.memref_slice %arg6[%dma_wait3A_98, %dma_wait3A_99] : memref<10240x128xf32, #tpu.memory_space<vmem_shared>> -> memref<10240x128xf32, #tpu.memory_space<vmem_shared>>
          tpu.wait_indirect_dma semaphore(%run_scoped3A : memref<!tpu.dma_semaphore, #tpu.memory_space<semaphore_mem>>) src(%arg9 : memref<128x128xf32, #tpu.memory_space<vmem>>) dst(%dma_wait3A_100 : memref<10240x128xf32, #tpu.memory_space<vmem_shared>>)
          tpu.yield
        }) : () -> ()
        %add3A_77 = arith.constant 1 : i32
        %add3A_78 = arith.addi %mul3A_63, %add3A_77 : i32
        %dma_wait3A_79 = arith.constant 0 : i32
        %dma_wait3A_80 = tpu.memref_slice %arg7[%add3A_78, %dma_wait3A_79] : memref<16x128xi32, #tpu.memory_space<vmem>> -> memref<1x128xi32, #tpu.memory_space<vmem>>
        %dma_wait3A_81 = tpu.memref_squeeze %dma_wait3A_80 : memref<1x128xi32, #tpu.memory_space<vmem>> -> memref<128xi32, #tpu.memory_space<vmem>>
        %dma_wait3A_82 = arith.constant 0 : i32
        %dma_wait3A_83 = arith.constant 0 : i32
        %dma_wait3A_84 = tpu.memref_slice %arg2[%dma_wait3A_82, %dma_wait3A_83] : memref<10000x128xf32, #tpu.memory_space<hbm>> -> memref<10000x128xf32, #tpu.memory_space<hbm>>
        tpu.wait_indirect_dma semaphore(%arg12 : memref<!tpu.dma_semaphore, #tpu.memory_space<semaphore_mem>>) src(%dma_wait3A_84 : memref<10000x128xf32, #tpu.memory_space<hbm>>) dst(%arg10 : memref<128x128xf32, #tpu.memory_space<vmem>>)
        %lt3A = arith.constant 7 : i32
        %lt3A_85 = arith.cmpi slt, %while3A_61, %lt3A : i32
        %convert_element_type3A = arith.extui %lt3A_85 : i1 to i32
        %cond3A = arith.constant 0 : i32
        %cond3A_86 = arith.cmpi ne, %convert_element_type3A, %cond3A : i32
        scf.if %cond3A_86 {
          %add3A_89 = arith.constant 2 : i32
          %add3A_90 = arith.addi %mul3A_63, %add3A_89 : i32
          %dma_start3A_91 = arith.constant 0 : i32
          %dma_start3A_92 = tpu.memref_slice %arg7[%add3A_90, %dma_start3A_91] : memref<16x128xi32, #tpu.memory_space<vmem>> -> memref<1x128xi32, #tpu.memory_space<vmem>>
          %dma_start3A_93 = tpu.memref_squeeze %dma_start3A_92 : memref<1x128xi32, #tpu.memory_space<vmem>> -> memref<128xi32, #tpu.memory_space<vmem>>
          %dma_start3A_94 = arith.constant 0 : i32
          %dma_start3A_95 = arith.constant 0 : i32
          %dma_start3A_96 = tpu.memref_slice %arg2[%dma_start3A_94, %dma_start3A_95] : memref<10000x128xf32, #tpu.memory_space<hbm>> -> memref<10000x128xf32, #tpu.memory_space<hbm>>
          tpu.enqueue_indirect_dma source(%dma_start3A_96 : memref<10000x128xf32, #tpu.memory_space<hbm>>) target(%arg9 : memref<128x128xf32, #tpu.memory_space<vmem>>) offsets(%dma_start3A_93 : memref<128xi32, #tpu.memory_space<vmem>>) semaphore(%arg11 : memref<!tpu.dma_semaphore, #tpu.memory_space<semaphore_mem>>)
        } else {
        }
        %add3A_87 = arith.constant 1 : i32
        %add3A_88 = arith.addi %mul3A_63, %add3A_87 : i32
        "tpu.region"() ({
          %run_scoped3A = tpu.sem_alloc : memref<!tpu.dma_semaphore, #tpu.memory_space<semaphore_mem>>
          %dma_start3A_89 = arith.constant 0 : i32
          %dma_start3A_90 = tpu.memref_slice %arg8[%add3A_88, %dma_start3A_89] : memref<16x128xi32, #tpu.memory_space<vmem>> -> memref<1x128xi32, #tpu.memory_space<vmem>>
          %dma_start3A_91 = tpu.memref_squeeze %dma_start3A_90 : memref<1x128xi32, #tpu.memory_space<vmem>> -> memref<128xi32, #tpu.memory_space<vmem>>
          %dma_start3A_92 = arith.constant 0 : i32
          %dma_start3A_93 = arith.constant 0 : i32
          %dma_start3A_94 = tpu.memref_slice %arg6[%dma_start3A_92, %dma_start3A_93] : memref<10240x128xf32, #tpu.memory_space<vmem_shared>> -> memref<10240x128xf32, #tpu.memory_space<vmem_shared>>
          tpu.enqueue_indirect_dma source(%arg10 : memref<128x128xf32, #tpu.memory_space<vmem>>) target(%dma_start3A_94 : memref<10240x128xf32, #tpu.memory_space<vmem_shared>>) offsets(%dma_start3A_91 : memref<128xi32, #tpu.memory_space<vmem>>) semaphore(%run_scoped3A : memref<!tpu.dma_semaphore, #tpu.memory_space<semaphore_mem>>) {add = true}
          %dma_wait3A_95 = arith.constant 0 : i32
          %dma_wait3A_96 = tpu.memref_slice %arg8[%add3A_88, %dma_wait3A_95] : memref<16x128xi32, #tpu.memory_space<vmem>> -> memref<1x128xi32, #tpu.memory_space<vmem>>
          %dma_wait3A_97 = tpu.memref_squeeze %dma_wait3A_96 : memref<1x128xi32, #tpu.memory_space<vmem>> -> memref<128xi32, #tpu.memory_space<vmem>>
          %dma_wait3A_98 = arith.constant 0 : i32
          %dma_wait3A_99 = arith.constant 0 : i32
          %dma_wait3A_100 = tpu.memref_slice %arg6[%dma_wait3A_98, %dma_wait3A_99] : memref<10240x128xf32, #tpu.memory_space<vmem_shared>> -> memref<10240x128xf32, #tpu.memory_space<vmem_shared>>
          tpu.wait_indirect_dma semaphore(%run_scoped3A : memref<!tpu.dma_semaphore, #tpu.memory_space<semaphore_mem>>) src(%arg10 : memref<128x128xf32, #tpu.memory_space<vmem>>) dst(%dma_wait3A_100 : memref<10240x128xf32, #tpu.memory_space<vmem_shared>>)
          tpu.yield
        }) : () -> ()
      }
      %while3A_60 = arith.constant 1 : i32
      scf.for %while3A_61 = %while3A_58 to %while3A_54 step %while3A_60  : i32 {
        %mul3A_62 = arith.constant 2 : i32
        %mul3A_63 = arith.muli %while3A_61, %mul3A_62 : i32
        %dma_wait3A = arith.constant 0 : i32
        %dma_wait3A_64 = tpu.memref_slice %arg7[%mul3A_63, %dma_wait3A] : memref<16x128xi32, #tpu.memory_space<vmem>> -> memref<1x128xi32, #tpu.memory_space<vmem>>
        %dma_wait3A_65 = tpu.memref_squeeze %dma_wait3A_64 : memref<1x128xi32, #tpu.memory_space<vmem>> -> memref<128xi32, #tpu.memory_space<vmem>>
        %dma_wait3A_66 = arith.constant 0 : i32
        %dma_wait3A_67 = arith.constant 0 : i32
        %dma_wait3A_68 = tpu.memref_slice %arg2[%dma_wait3A_66, %dma_wait3A_67] : memref<10000x128xf32, #tpu.memory_space<hbm>> -> memref<10000x128xf32, #tpu.memory_space<hbm>>
        tpu.wait_indirect_dma semaphore(%arg11 : memref<!tpu.dma_semaphore, #tpu.memory_space<semaphore_mem>>) src(%dma_wait3A_68 : memref<10000x128xf32, #tpu.memory_space<hbm>>) dst(%arg9 : memref<128x128xf32, #tpu.memory_space<vmem>>)
        %add3A_69 = arith.constant 1 : i32
        %add3A_70 = arith.addi %mul3A_63, %add3A_69 : i32
        %dma_start3A_71 = arith.constant 0 : i32
        %dma_start3A_72 = tpu.memref_slice %arg7[%add3A_70, %dma_start3A_71] : memref<16x128xi32, #tpu.memory_space<vmem>> -> memref<1x128xi32, #tpu.memory_space<vmem>>
        %dma_start3A_73 = tpu.memref_squeeze %dma_start3A_72 : memref<1x128xi32, #tpu.memory_space<vmem>> -> memref<128xi32, #tpu.memory_space<vmem>>
        %dma_start3A_74 = arith.constant 0 : i32
        %dma_start3A_75 = arith.constant 0 : i32
        %dma_start3A_76 = tpu.memref_slice %arg2[%dma_start3A_74, %dma_start3A_75] : memref<10000x128xf32, #tpu.memory_space<hbm>> -> memref<10000x128xf32, #tpu.memory_space<hbm>>
        tpu.enqueue_indirect_dma source(%dma_start3A_76 : memref<10000x128xf32, #tpu.memory_space<hbm>>) target(%arg10 : memref<128x128xf32, #tpu.memory_space<vmem>>) offsets(%dma_start3A_73 : memref<128xi32, #tpu.memory_space<vmem>>) semaphore(%arg12 : memref<!tpu.dma_semaphore, #tpu.memory_space<semaphore_mem>>)
        "tpu.region"() ({
          %run_scoped3A = tpu.sem_alloc : memref<!tpu.dma_semaphore, #tpu.memory_space<semaphore_mem>>
          %dma_start3A_89 = arith.constant 0 : i32
          %dma_start3A_90 = tpu.memref_slice %arg8[%mul3A_63, %dma_start3A_89] : memref<16x128xi32, #tpu.memory_space<vmem>> -> memref<1x128xi32, #tpu.memory_space<vmem>>
          %dma_start3A_91 = tpu.memref_squeeze %dma_start3A_90 : memref<1x128xi32, #tpu.memory_space<vmem>> -> memref<128xi32, #tpu.memory_space<vmem>>
          %dma_start3A_92 = arith.constant 0 : i32
          %dma_start3A_93 = arith.constant 0 : i32
          %dma_start3A_94 = tpu.memref_slice %arg6[%dma_start3A_92, %dma_start3A_93] : memref<10240x128xf32, #tpu.memory_space<vmem_shared>> -> memref<10240x128xf32, #tpu.memory_space<vmem_shared>>
          tpu.enqueue_indirect_dma source(%arg9 : memref<128x128xf32, #tpu.memory_space<vmem>>) target(%dma_start3A_94 : memref<10240x128xf32, #tpu.memory_space<vmem_shared>>) offsets(%dma_start3A_91 : memref<128xi32, #tpu.memory_space<vmem>>) semaphore(%run_scoped3A : memref<!tpu.dma_semaphore, #tpu.memory_space<semaphore_mem>>) {add = true}
          %dma_wait3A_95 = arith.constant 0 : i32
          %dma_wait3A_96 = tpu.memref_slice %arg8[%mul3A_63, %dma_wait3A_95] : memref<16x128xi32, #tpu.memory_space<vmem>> -> memref<1x128xi32, #tpu.memory_space<vmem>>
          %dma_wait3A_97 = tpu.memref_squeeze %dma_wait3A_96 : memref<1x128xi32, #tpu.memory_space<vmem>> -> memref<128xi32, #tpu.memory_space<vmem>>
          %dma_wait3A_98 = arith.constant 0 : i32
          %dma_wait3A_99 = arith.constant 0 : i32
          %dma_wait3A_100 = tpu.memref_slice %arg6[%dma_wait3A_98, %dma_wait3A_99] : memref<10240x128xf32, #tpu.memory_space<vmem_shared>> -> memref<10240x128xf32, #tpu.memory_space<vmem_shared>>
          tpu.wait_indirect_dma semaphore(%run_scoped3A : memref<!tpu.dma_semaphore, #tpu.memory_space<semaphore_mem>>) src(%arg9 : memref<128x128xf32, #tpu.memory_space<vmem>>) dst(%dma_wait3A_100 : memref<10240x128xf32, #tpu.memory_space<vmem_shared>>)
          tpu.yield
        }) : () -> ()
        %add3A_77 = arith.constant 1 : i32
        %add3A_78 = arith.addi %mul3A_63, %add3A_77 : i32
        %dma_wait3A_79 = arith.constant 0 : i32
        %dma_wait3A_80 = tpu.memref_slice %arg7[%add3A_78, %dma_wait3A_79] : memref<16x128xi32, #tpu.memory_space<vmem>> -> memref<1x128xi32, #tpu.memory_space<vmem>>
        %dma_wait3A_81 = tpu.memref_squeeze %dma_wait3A_80 : memref<1x128xi32, #tpu.memory_space<vmem>> -> memref<128xi32, #tpu.memory_space<vmem>>
        %dma_wait3A_82 = arith.constant 0 : i32
        %dma_wait3A_83 = arith.constant 0 : i32
        %dma_wait3A_84 = tpu.memref_slice %arg2[%dma_wait3A_82, %dma_wait3A_83] : memref<10000x128xf32, #tpu.memory_space<hbm>> -> memref<10000x128xf32, #tpu.memory_space<hbm>>
        tpu.wait_indirect_dma semaphore(%arg12 : memref<!tpu.dma_semaphore, #tpu.memory_space<semaphore_mem>>) src(%dma_wait3A_84 : memref<10000x128xf32, #tpu.memory_space<hbm>>) dst(%arg10 : memref<128x128xf32, #tpu.memory_space<vmem>>)
        %lt3A = arith.constant 7 : i32
        %lt3A_85 = arith.cmpi slt, %while3A_61, %lt3A : i32
        %convert_element_type3A = arith.extui %lt3A_85 : i1 to i32
        %cond3A = arith.constant 0 : i32
        %cond3A_86 = arith.cmpi ne, %convert_element_type3A, %cond3A : i32
        scf.if %cond3A_86 {
          %add3A_89 = arith.constant 2 : i32
          %add3A_90 = arith.addi %mul3A_63, %add3A_89 : i32
          %dma_start3A_91 = arith.constant 0 : i32
          %dma_start3A_92 = tpu.memref_slice %arg7[%add3A_90, %dma_start3A_91] : memref<16x128xi32, #tpu.memory_space<vmem>> -> memref<1x128xi32, #tpu.memory_space<vmem>>
          %dma_start3A_93 = tpu.memref_squeeze %dma_start3A_92 : memref<1x128xi32, #tpu.memory_space<vmem>> -> memref<128xi32, #tpu.memory_space<vmem>>
          %dma_start3A_94 = arith.constant 0 : i32
          %dma_start3A_95 = arith.constant 0 : i32
          %dma_start3A_96 = tpu.memref_slice %arg2[%dma_start3A_94, %dma_start3A_95] : memref<10000x128xf32, #tpu.memory_space<hbm>> -> memref<10000x128xf32, #tpu.memory_space<hbm>>
          tpu.enqueue_indirect_dma source(%dma_start3A_96 : memref<10000x128xf32, #tpu.memory_space<hbm>>) target(%arg9 : memref<128x128xf32, #tpu.memory_space<vmem>>) offsets(%dma_start3A_93 : memref<128xi32, #tpu.memory_space<vmem>>) semaphore(%arg11 : memref<!tpu.dma_semaphore, #tpu.memory_space<semaphore_mem>>)
        } else {
        }
        %add3A_87 = arith.constant 1 : i32
        %add3A_88 = arith.addi %mul3A_63, %add3A_87 : i32
        "tpu.region"() ({
          %run_scoped3A = tpu.sem_alloc : memref<!tpu.dma_semaphore, #tpu.memory_space<semaphore_mem>>
          %dma_start3A_89 = arith.constant 0 : i32
          %dma_start3A_90 = tpu.memref_slice %arg8[%add3A_88, %dma_start3A_89] : memref<16x128xi32, #tpu.memory_space<vmem>> -> memref<1x128xi32, #tpu.memory_space<vmem>>
          %dma_start3A_91 = tpu.memref_squeeze %dma_start3A_90 : memref<1x128xi32, #tpu.memory_space<vmem>> -> memref<128xi32, #tpu.memory_space<vmem>>
          %dma_start3A_92 = arith.constant 0 : i32
          %dma_start3A_93 = arith.constant 0 : i32
          %dma_start3A_94 = tpu.memref_slice %arg6[%dma_start3A_92, %dma_start3A_93] : memref<10240x128xf32, #tpu.memory_space<vmem_shared>> -> memref<10240x128xf32, #tpu.memory_space<vmem_shared>>
          tpu.enqueue_indirect_dma source(%arg10 : memref<128x128xf32, #tpu.memory_space<vmem>>) target(%dma_start3A_94 : memref<10240x128xf32, #tpu.memory_space<vmem_shared>>) offsets(%dma_start3A_91 : memref<128xi32, #tpu.memory_space<vmem>>) semaphore(%run_scoped3A : memref<!tpu.dma_semaphore, #tpu.memory_space<semaphore_mem>>) {add = true}
          %dma_wait3A_95 = arith.constant 0 : i32
          %dma_wait3A_96 = tpu.memref_slice %arg8[%add3A_88, %dma_wait3A_95] : memref<16x128xi32, #tpu.memory_space<vmem>> -> memref<1x128xi32, #tpu.memory_space<vmem>>
          %dma_wait3A_97 = tpu.memref_squeeze %dma_wait3A_96 : memref<1x128xi32, #tpu.memory_space<vmem>> -> memref<128xi32, #tpu.memory_space<vmem>>
          %dma_wait3A_98 = arith.constant 0 : i32
          %dma_wait3A_99 = arith.constant 0 : i32
          %dma_wait3A_100 = tpu.memref_slice %arg6[%dma_wait3A_98, %dma_wait3A_99] : memref<10240x128xf32, #tpu.memory_space<vmem_shared>> -> memref<10240x128xf32, #tpu.memory_space<vmem_shared>>
          tpu.wait_indirect_dma semaphore(%run_scoped3A : memref<!tpu.dma_semaphore, #tpu.memory_space<semaphore_mem>>) src(%arg10 : memref<128x128xf32, #tpu.memory_space<vmem>>) dst(%dma_wait3A_100 : memref<10240x128xf32, #tpu.memory_space<vmem_shared>>)
          tpu.yield
        }) : () -> ()
      }
    }
    %barrier3A_35 = arith.constant 0 : index
    tpu.barrier barrier_id(%barrier3A_35)
    %mul3A_36 = arith.constant 640 : i32
    %mul3A_37 = arith.muli %arg1, %mul3A_36 : i32
    %mul3A_38 = arith.constant 640 : i32
    %mul3A_39 = arith.muli %arg1, %mul3A_38 : i32
    "tpu.region"() ({
      %run_scoped3A = tpu.sem_alloc : memref<!tpu.dma_semaphore, #tpu.memory_space<semaphore_mem>>
      %dma_start3A = arith.constant 0 : i32
      %dma_start3A_40 = tpu.memref_slice %arg5[%arg0, %mul3A_39, %dma_start3A] : memref<2x10240x128xf32, #tpu.memory_space<hbm>> -> memref<1x640x128xf32, #tpu.memory_space<hbm>>
      %dma_start3A_41 = tpu.memref_squeeze %dma_start3A_40 : memref<1x640x128xf32, #tpu.memory_space<hbm>> -> memref<640x128xf32, #tpu.memory_space<hbm>>
      %dma_start3A_42 = arith.constant 0 : i32
      %dma_start3A_43 = tpu.memref_slice %arg6[%mul3A_37, %dma_start3A_42] : memref<10240x128xf32, #tpu.memory_space<vmem_shared>> -> memref<640x128xf32, #tpu.memory_space<vmem_shared>>
      tpu.enqueue_dma source(%dma_start3A_43 : memref<640x128xf32, #tpu.memory_space<vmem_shared>>) target(%dma_start3A_41 : memref<640x128xf32, #tpu.memory_space<hbm>>) target_semaphore(%run_scoped3A : memref<!tpu.dma_semaphore, #tpu.memory_space<semaphore_mem>>)
      %dma_wait3A = arith.constant 0 : i32
      %dma_wait3A_44 = tpu.memref_slice %arg5[%arg0, %mul3A_39, %dma_wait3A] : memref<2x10240x128xf32, #tpu.memory_space<hbm>> -> memref<1x640x128xf32, #tpu.memory_space<hbm>>
      %dma_wait3A_45 = tpu.memref_squeeze %dma_wait3A_44 : memref<1x640x128xf32, #tpu.memory_space<hbm>> -> memref<640x128xf32, #tpu.memory_space<hbm>>
      %dma_wait3A_46 = arith.constant 0 : i32
      %dma_wait3A_47 = tpu.memref_slice %arg6[%mul3A_37, %dma_wait3A_46] : memref<10240x128xf32, #tpu.memory_space<vmem_shared>> -> memref<640x128xf32, #tpu.memory_space<vmem_shared>>
      tpu.wait_dma2 semaphore(%run_scoped3A : memref<!tpu.dma_semaphore, #tpu.memory_space<semaphore_mem>>) src(%dma_wait3A_47 : memref<640x128xf32, #tpu.memory_space<vmem_shared>>) dst(%dma_wait3A_45 : memref<640x128xf32, #tpu.memory_space<hbm>>)
      tpu.yield
    }) : () -> ()
    return
  }
}

#map = affine_map<(d0, d1) -> (0, 0)>
module attributes {stable_mosaic.version = 14 : i64} {
  func.func @sc_degree(%arg0: i32, %arg1: i32, %arg2: memref<2560x128xi32, #tpu.memory_space<hbm>>, %arg3: memref<2x10240xf32, #tpu.memory_space<hbm>>, %arg4: memref<10240xf32, #tpu.memory_space<vmem_shared>>, %arg5: memref<16x128xi32, #tpu.memory_space<vmem>>, %arg6: memref<128xf32, #tpu.memory_space<vmem>>, %arg7: memref<640xf32, #tpu.memory_space<vmem>>, %arg8: memref<!tpu.dma_semaphore, #tpu.memory_space<semaphore_mem>>) attributes {dimension_semantics = [#tpu.dimension_semantics<core_parallel>, #tpu.dimension_semantics<subcore_parallel>], iteration_bounds = array<i64: 2, 16>, scalar_prefetch = 0 : i64, scratch_operands = 5 : i64, tpu.core_type = #tpu.core_type<sc_vector_subcore>, window_params = [{transform_indices = #map}, {transform_indices = #map}]} {
    %mul3A = arith.constant 16 : i32
    %mul3A_0 = arith.muli %arg0, %mul3A : i32
    %add3A = arith.addi %mul3A_0, %arg1 : i32
    %while3A = arith.constant 0 : i32
    %while3A_1 = arith.constant 0 : i32
    %while3A_2 = arith.constant 40 : i32
    %while3A_3 = arith.subi %while3A_2, %while3A_1 : i32
    %while3A_4 = arith.addi %while3A_1, %while3A_3 : i32
    %while3A_5 = arith.constant 1 : i32
    %while3A_6 = arith.divsi %while3A_3, %while3A_5 : i32
    %while3A_7 = arith.muli %while3A_6, %while3A_5 : i32
    %while3A_8 = arith.addi %while3A_1, %while3A_7 : i32
    %while3A_9 = arith.constant 1 : i32
    scf.for %while3A_40 = %while3A_1 to %while3A_8 step %while3A_9  : i32 {
      %broadcast_in_dim3A = arith.constant 0.000000e+00 : f32
      %broadcast_in_dim3A_41 = vector.broadcast %broadcast_in_dim3A : f32 to vector<16xf32>
      %mul3A_42 = arith.constant 16 : i32
      %mul3A_43 = arith.muli %while3A_40, %mul3A_42 : i32
      %swap3A = arith.index_cast %mul3A_43 : i32 to index
      %swap3A_44 = tpu.vector_load %arg7[%swap3A] {strides = array<i32>} : memref<640xf32, #tpu.memory_space<vmem>>, vector<16xf32>,
      %swap3A_45 = vector.shape_cast %swap3A_44 : vector<16xf32> to vector<16xf32>
      %swap3A_46 = vector.shape_cast %broadcast_in_dim3A_41 : vector<16xf32> to vector<16xf32>
      tpu.vector_store %arg7[%swap3A], %swap3A_46 {strides = array<i32>} : memref<640xf32, #tpu.memory_space<vmem>>, vector<16xf32>,
    }
    %while3A_10 = arith.constant 1 : i32
    scf.for %while3A_40 = %while3A_8 to %while3A_4 step %while3A_10  : i32 {
      %broadcast_in_dim3A = arith.constant 0.000000e+00 : f32
      %broadcast_in_dim3A_41 = vector.broadcast %broadcast_in_dim3A : f32 to vector<16xf32>
      %mul3A_42 = arith.constant 16 : i32
      %mul3A_43 = arith.muli %while3A_40, %mul3A_42 : i32
      %swap3A = arith.index_cast %mul3A_43 : i32 to index
      %swap3A_44 = tpu.vector_load %arg7[%swap3A] {strides = array<i32>} : memref<640xf32, #tpu.memory_space<vmem>>, vector<16xf32>,
      %swap3A_45 = vector.shape_cast %swap3A_44 : vector<16xf32> to vector<16xf32>
      %swap3A_46 = vector.shape_cast %broadcast_in_dim3A_41 : vector<16xf32> to vector<16xf32>
      tpu.vector_store %arg7[%swap3A], %swap3A_46 {strides = array<i32>} : memref<640xf32, #tpu.memory_space<vmem>>, vector<16xf32>,
    }
    %mul3A_11 = arith.constant 640 : i32
    %mul3A_12 = arith.muli %arg1, %mul3A_11 : i32
    "tpu.region"() ({
      %run_scoped3A = tpu.sem_alloc : memref<!tpu.dma_semaphore, #tpu.memory_space<semaphore_mem>>
      %dma_start3A = tpu.memref_slice %arg4[%mul3A_12] : memref<10240xf32, #tpu.memory_space<vmem_shared>> -> memref<640xf32, #tpu.memory_space<vmem_shared>>
      %dma_start3A_40 = tpu.memref_slice %arg4[%mul3A_12] : memref<10240xf32, #tpu.memory_space<vmem_shared>> -> memref<640xf32, #tpu.memory_space<vmem_shared>>
      tpu.enqueue_dma source(%arg7 : memref<640xf32, #tpu.memory_space<vmem>>) target(%dma_start3A_40 : memref<640xf32, #tpu.memory_space<vmem_shared>>) target_semaphore(%run_scoped3A : memref<!tpu.dma_semaphore, #tpu.memory_space<semaphore_mem>>)
      %dma_wait3A = tpu.memref_slice %arg4[%mul3A_12] : memref<10240xf32, #tpu.memory_space<vmem_shared>> -> memref<640xf32, #tpu.memory_space<vmem_shared>>
      %dma_wait3A_41 = tpu.memref_slice %arg4[%mul3A_12] : memref<10240xf32, #tpu.memory_space<vmem_shared>> -> memref<640xf32, #tpu.memory_space<vmem_shared>>
      tpu.wait_dma2 semaphore(%run_scoped3A : memref<!tpu.dma_semaphore, #tpu.memory_space<semaphore_mem>>) src(%arg7 : memref<640xf32, #tpu.memory_space<vmem>>) dst(%dma_wait3A_41 : memref<640xf32, #tpu.memory_space<vmem_shared>>)
      tpu.yield
    }) : () -> ()
    %while3A_13 = arith.constant 0 : i32
    %while3A_14 = arith.constant 0 : i32
    %while3A_15 = arith.constant 8 : i32
    %while3A_16 = arith.subi %while3A_15, %while3A_14 : i32
    %while3A_17 = arith.addi %while3A_14, %while3A_16 : i32
    %while3A_18 = arith.constant 1 : i32
    %while3A_19 = arith.divsi %while3A_16, %while3A_18 : i32
    %while3A_20 = arith.muli %while3A_19, %while3A_18 : i32
    %while3A_21 = arith.addi %while3A_14, %while3A_20 : i32
    %while3A_22 = arith.constant 1 : i32
    scf.for %while3A_40 = %while3A_14 to %while3A_21 step %while3A_22  : i32 {
      %broadcast_in_dim3A = arith.constant 1.000000e+00 : f32
      %broadcast_in_dim3A_41 = vector.broadcast %broadcast_in_dim3A : f32 to vector<16xf32>
      %mul3A_42 = arith.constant 16 : i32
      %mul3A_43 = arith.muli %while3A_40, %mul3A_42 : i32
      %swap3A = arith.index_cast %mul3A_43 : i32 to index
      %swap3A_44 = tpu.vector_load %arg6[%swap3A] {strides = array<i32>} : memref<128xf32, #tpu.memory_space<vmem>>, vector<16xf32>,
      %swap3A_45 = vector.shape_cast %swap3A_44 : vector<16xf32> to vector<16xf32>
      %swap3A_46 = vector.shape_cast %broadcast_in_dim3A_41 : vector<16xf32> to vector<16xf32>
      tpu.vector_store %arg6[%swap3A], %swap3A_46 {strides = array<i32>} : memref<128xf32, #tpu.memory_space<vmem>>, vector<16xf32>,
    }
    %while3A_23 = arith.constant 1 : i32
    scf.for %while3A_40 = %while3A_21 to %while3A_17 step %while3A_23  : i32 {
      %broadcast_in_dim3A = arith.constant 1.000000e+00 : f32
      %broadcast_in_dim3A_41 = vector.broadcast %broadcast_in_dim3A : f32 to vector<16xf32>
      %mul3A_42 = arith.constant 16 : i32
      %mul3A_43 = arith.muli %while3A_40, %mul3A_42 : i32
      %swap3A = arith.index_cast %mul3A_43 : i32 to index
      %swap3A_44 = tpu.vector_load %arg6[%swap3A] {strides = array<i32>} : memref<128xf32, #tpu.memory_space<vmem>>, vector<16xf32>,
      %swap3A_45 = vector.shape_cast %swap3A_44 : vector<16xf32> to vector<16xf32>
      %swap3A_46 = vector.shape_cast %broadcast_in_dim3A_41 : vector<16xf32> to vector<16xf32>
      tpu.vector_store %arg6[%swap3A], %swap3A_46 {strides = array<i32>} : memref<128xf32, #tpu.memory_space<vmem>>, vector<16xf32>,
    }
    %barrier3A = arith.constant 0 : index
    tpu.barrier barrier_id(%barrier3A)
    %mul3A_24 = arith.constant 80 : i32
    %mul3A_25 = arith.muli %add3A, %mul3A_24 : i32
    %while3A_26 = arith.constant 0 : i32
    %while3A_27 = arith.constant 0 : i32
    %while3A_28 = arith.constant 5 : i32
    %while3A_29 = arith.subi %while3A_28, %while3A_27 : i32
    %while3A_30 = arith.addi %while3A_27, %while3A_29 : i32
    %while3A_31 = arith.constant 1 : i32
    %while3A_32 = arith.divsi %while3A_29, %while3A_31 : i32
    %while3A_33 = arith.muli %while3A_32, %while3A_31 : i32
    %while3A_34 = arith.addi %while3A_27, %while3A_33 : i32
    %while3A_35 = arith.constant 1 : i32
    scf.for %while3A_40 = %while3A_27 to %while3A_34 step %while3A_35  : i32 {
      %mul3A_41 = arith.constant 16 : i32
      %mul3A_42 = arith.muli %while3A_40, %mul3A_41 : i32
      %add3A_43 = arith.addi %mul3A_25, %mul3A_42 : i32
      "tpu.region"() ({
        %run_scoped3A = tpu.sem_alloc : memref<!tpu.dma_semaphore, #tpu.memory_space<semaphore_mem>>
        %dma_start3A = arith.constant 0 : i32
        %dma_start3A_66 = tpu.memref_slice %arg2[%add3A_43, %dma_start3A] : memref<2560x128xi32, #tpu.memory_space<hbm>> -> memref<16x128xi32, #tpu.memory_space<hbm>>
        %dma_start3A_67 = arith.constant 0 : i32
        %dma_start3A_68 = tpu.memref_slice %arg2[%add3A_43, %dma_start3A_67] : memref<2560x128xi32, #tpu.memory_space<hbm>> -> memref<16x128xi32, #tpu.memory_space<hbm>>
        tpu.enqueue_dma source(%dma_start3A_68 : memref<16x128xi32, #tpu.memory_space<hbm>>) target(%arg5 : memref<16x128xi32, #tpu.memory_space<vmem>>) target_semaphore(%run_scoped3A : memref<!tpu.dma_semaphore, #tpu.memory_space<semaphore_mem>>)
        %dma_wait3A = arith.constant 0 : i32
        %dma_wait3A_69 = tpu.memref_slice %arg2[%add3A_43, %dma_wait3A] : memref<2560x128xi32, #tpu.memory_space<hbm>> -> memref<16x128xi32, #tpu.memory_space<hbm>>
        %dma_wait3A_70 = arith.constant 0 : i32
        %dma_wait3A_71 = tpu.memref_slice %arg2[%add3A_43, %dma_wait3A_70] : memref<2560x128xi32, #tpu.memory_space<hbm>> -> memref<16x128xi32, #tpu.memory_space<hbm>>
        tpu.wait_dma2 semaphore(%run_scoped3A : memref<!tpu.dma_semaphore, #tpu.memory_space<semaphore_mem>>) src(%dma_wait3A_71 : memref<16x128xi32, #tpu.memory_space<hbm>>) dst(%arg5 : memref<16x128xi32, #tpu.memory_space<vmem>>)
        tpu.yield
      }) : () -> ()
      %while3A_44 = arith.constant 0 : i32
      %while3A_45 = arith.constant 0 : i32
      %while3A_46 = arith.constant 16 : i32
      %while3A_47 = arith.subi %while3A_46, %while3A_45 : i32
      %while3A_48 = arith.addi %while3A_45, %while3A_47 : i32
      %while3A_49 = arith.constant 1 : i32
      %while3A_50 = arith.divsi %while3A_47, %while3A_49 : i32
      %while3A_51 = arith.muli %while3A_50, %while3A_49 : i32
      %while3A_52 = arith.addi %while3A_45, %while3A_51 : i32
      %while3A_53 = arith.constant 1 : i32
      scf.for %while3A_66 = %while3A_45 to %while3A_52 step %while3A_53  : i32 {
        %dma_start3A = arith.constant 0 : i32
        %dma_start3A_67 = tpu.memref_slice %arg5[%while3A_66, %dma_start3A] : memref<16x128xi32, #tpu.memory_space<vmem>> -> memref<1x128xi32, #tpu.memory_space<vmem>>
        %dma_start3A_68 = tpu.memref_squeeze %dma_start3A_67 : memref<1x128xi32, #tpu.memory_space<vmem>> -> memref<128xi32, #tpu.memory_space<vmem>>
        %dma_start3A_69 = arith.constant 0 : i32
        %dma_start3A_70 = tpu.memref_slice %arg4[%dma_start3A_69] : memref<10240xf32, #tpu.memory_space<vmem_shared>> -> memref<10240xf32, #tpu.memory_space<vmem_shared>>
        tpu.enqueue_indirect_dma source(%arg6 : memref<128xf32, #tpu.memory_space<vmem>>) target(%dma_start3A_70 : memref<10240xf32, #tpu.memory_space<vmem_shared>>) offsets(%dma_start3A_68 : memref<128xi32, #tpu.memory_space<vmem>>) semaphore(%arg8 : memref<!tpu.dma_semaphore, #tpu.memory_space<semaphore_mem>>) {add = true}
      }
      %while3A_54 = arith.constant 1 : i32
      scf.for %while3A_66 = %while3A_52 to %while3A_48 step %while3A_54  : i32 {
        %dma_start3A = arith.constant 0 : i32
        %dma_start3A_67 = tpu.memref_slice %arg5[%while3A_66, %dma_start3A] : memref<16x128xi32, #tpu.memory_space<vmem>> -> memref<1x128xi32, #tpu.memory_space<vmem>>
        %dma_start3A_68 = tpu.memref_squeeze %dma_start3A_67 : memref<1x128xi32, #tpu.memory_space<vmem>> -> memref<128xi32, #tpu.memory_space<vmem>>
        %dma_start3A_69 = arith.constant 0 : i32
        %dma_start3A_70 = tpu.memref_slice %arg4[%dma_start3A_69] : memref<10240xf32, #tpu.memory_space<vmem_shared>> -> memref<10240xf32, #tpu.memory_space<vmem_shared>>
        tpu.enqueue_indirect_dma source(%arg6 : memref<128xf32, #tpu.memory_space<vmem>>) target(%dma_start3A_70 : memref<10240xf32, #tpu.memory_space<vmem_shared>>) offsets(%dma_start3A_68 : memref<128xi32, #tpu.memory_space<vmem>>) semaphore(%arg8 : memref<!tpu.dma_semaphore, #tpu.memory_space<semaphore_mem>>) {add = true}
      }
      %while3A_55 = arith.constant 0 : i32
      %while3A_56 = arith.constant 0 : i32
      %while3A_57 = arith.constant 16 : i32
      %while3A_58 = arith.subi %while3A_57, %while3A_56 : i32
      %while3A_59 = arith.addi %while3A_56, %while3A_58 : i32
      %while3A_60 = arith.constant 1 : i32
      %while3A_61 = arith.divsi %while3A_58, %while3A_60 : i32
      %while3A_62 = arith.muli %while3A_61, %while3A_60 : i32
      %while3A_63 = arith.addi %while3A_56, %while3A_62 : i32
      %while3A_64 = arith.constant 1 : i32
      scf.for %while3A_66 = %while3A_56 to %while3A_63 step %while3A_64  : i32 {
        %dma_wait3A = arith.constant 0 : i32
        %dma_wait3A_67 = tpu.memref_slice %arg5[%while3A_66, %dma_wait3A] : memref<16x128xi32, #tpu.memory_space<vmem>> -> memref<1x128xi32, #tpu.memory_space<vmem>>
        %dma_wait3A_68 = tpu.memref_squeeze %dma_wait3A_67 : memref<1x128xi32, #tpu.memory_space<vmem>> -> memref<128xi32, #tpu.memory_space<vmem>>
        %dma_wait3A_69 = arith.constant 0 : i32
        %dma_wait3A_70 = tpu.memref_slice %arg4[%dma_wait3A_69] : memref<10240xf32, #tpu.memory_space<vmem_shared>> -> memref<10240xf32, #tpu.memory_space<vmem_shared>>
        tpu.wait_indirect_dma semaphore(%arg8 : memref<!tpu.dma_semaphore, #tpu.memory_space<semaphore_mem>>) src(%arg6 : memref<128xf32, #tpu.memory_space<vmem>>) dst(%dma_wait3A_70 : memref<10240xf32, #tpu.memory_space<vmem_shared>>)
      }
      %while3A_65 = arith.constant 1 : i32
      scf.for %while3A_66 = %while3A_63 to %while3A_59 step %while3A_65  : i32 {
        %dma_wait3A = arith.constant 0 : i32
        %dma_wait3A_67 = tpu.memref_slice %arg5[%while3A_66, %dma_wait3A] : memref<16x128xi32, #tpu.memory_space<vmem>> -> memref<1x128xi32, #tpu.memory_space<vmem>>
        %dma_wait3A_68 = tpu.memref_squeeze %dma_wait3A_67 : memref<1x128xi32, #tpu.memory_space<vmem>> -> memref<128xi32, #tpu.memory_space<vmem>>
        %dma_wait3A_69 = arith.constant 0 : i32
        %dma_wait3A_70 = tpu.memref_slice %arg4[%dma_wait3A_69] : memref<10240xf32, #tpu.memory_space<vmem_shared>> -> memref<10240xf32, #tpu.memory_space<vmem_shared>>
        tpu.wait_indirect_dma semaphore(%arg8 : memref<!tpu.dma_semaphore, #tpu.memory_space<semaphore_mem>>) src(%arg6 : memref<128xf32, #tpu.memory_space<vmem>>) dst(%dma_wait3A_70 : memref<10240xf32, #tpu.memory_space<vmem_shared>>)
      }
    }
    %while3A_36 = arith.constant 1 : i32
    scf.for %while3A_40 = %while3A_34 to %while3A_30 step %while3A_36  : i32 {
      %mul3A_41 = arith.constant 16 : i32
      %mul3A_42 = arith.muli %while3A_40, %mul3A_41 : i32
      %add3A_43 = arith.addi %mul3A_25, %mul3A_42 : i32
      "tpu.region"() ({
        %run_scoped3A = tpu.sem_alloc : memref<!tpu.dma_semaphore, #tpu.memory_space<semaphore_mem>>
        %dma_start3A = arith.constant 0 : i32
        %dma_start3A_66 = tpu.memref_slice %arg2[%add3A_43, %dma_start3A] : memref<2560x128xi32, #tpu.memory_space<hbm>> -> memref<16x128xi32, #tpu.memory_space<hbm>>
        %dma_start3A_67 = arith.constant 0 : i32
        %dma_start3A_68 = tpu.memref_slice %arg2[%add3A_43, %dma_start3A_67] : memref<2560x128xi32, #tpu.memory_space<hbm>> -> memref<16x128xi32, #tpu.memory_space<hbm>>
        tpu.enqueue_dma source(%dma_start3A_68 : memref<16x128xi32, #tpu.memory_space<hbm>>) target(%arg5 : memref<16x128xi32, #tpu.memory_space<vmem>>) target_semaphore(%run_scoped3A : memref<!tpu.dma_semaphore, #tpu.memory_space<semaphore_mem>>)
        %dma_wait3A = arith.constant 0 : i32
        %dma_wait3A_69 = tpu.memref_slice %arg2[%add3A_43, %dma_wait3A] : memref<2560x128xi32, #tpu.memory_space<hbm>> -> memref<16x128xi32, #tpu.memory_space<hbm>>
        %dma_wait3A_70 = arith.constant 0 : i32
        %dma_wait3A_71 = tpu.memref_slice %arg2[%add3A_43, %dma_wait3A_70] : memref<2560x128xi32, #tpu.memory_space<hbm>> -> memref<16x128xi32, #tpu.memory_space<hbm>>
        tpu.wait_dma2 semaphore(%run_scoped3A : memref<!tpu.dma_semaphore, #tpu.memory_space<semaphore_mem>>) src(%dma_wait3A_71 : memref<16x128xi32, #tpu.memory_space<hbm>>) dst(%arg5 : memref<16x128xi32, #tpu.memory_space<vmem>>)
        tpu.yield
      }) : () -> ()
      %while3A_44 = arith.constant 0 : i32
      %while3A_45 = arith.constant 0 : i32
      %while3A_46 = arith.constant 16 : i32
      %while3A_47 = arith.subi %while3A_46, %while3A_45 : i32
      %while3A_48 = arith.addi %while3A_45, %while3A_47 : i32
      %while3A_49 = arith.constant 1 : i32
      %while3A_50 = arith.divsi %while3A_47, %while3A_49 : i32
      %while3A_51 = arith.muli %while3A_50, %while3A_49 : i32
      %while3A_52 = arith.addi %while3A_45, %while3A_51 : i32
      %while3A_53 = arith.constant 1 : i32
      scf.for %while3A_66 = %while3A_45 to %while3A_52 step %while3A_53  : i32 {
        %dma_start3A = arith.constant 0 : i32
        %dma_start3A_67 = tpu.memref_slice %arg5[%while3A_66, %dma_start3A] : memref<16x128xi32, #tpu.memory_space<vmem>> -> memref<1x128xi32, #tpu.memory_space<vmem>>
        %dma_start3A_68 = tpu.memref_squeeze %dma_start3A_67 : memref<1x128xi32, #tpu.memory_space<vmem>> -> memref<128xi32, #tpu.memory_space<vmem>>
        %dma_start3A_69 = arith.constant 0 : i32
        %dma_start3A_70 = tpu.memref_slice %arg4[%dma_start3A_69] : memref<10240xf32, #tpu.memory_space<vmem_shared>> -> memref<10240xf32, #tpu.memory_space<vmem_shared>>
        tpu.enqueue_indirect_dma source(%arg6 : memref<128xf32, #tpu.memory_space<vmem>>) target(%dma_start3A_70 : memref<10240xf32, #tpu.memory_space<vmem_shared>>) offsets(%dma_start3A_68 : memref<128xi32, #tpu.memory_space<vmem>>) semaphore(%arg8 : memref<!tpu.dma_semaphore, #tpu.memory_space<semaphore_mem>>) {add = true}
      }
      %while3A_54 = arith.constant 1 : i32
      scf.for %while3A_66 = %while3A_52 to %while3A_48 step %while3A_54  : i32 {
        %dma_start3A = arith.constant 0 : i32
        %dma_start3A_67 = tpu.memref_slice %arg5[%while3A_66, %dma_start3A] : memref<16x128xi32, #tpu.memory_space<vmem>> -> memref<1x128xi32, #tpu.memory_space<vmem>>
        %dma_start3A_68 = tpu.memref_squeeze %dma_start3A_67 : memref<1x128xi32, #tpu.memory_space<vmem>> -> memref<128xi32, #tpu.memory_space<vmem>>
        %dma_start3A_69 = arith.constant 0 : i32
        %dma_start3A_70 = tpu.memref_slice %arg4[%dma_start3A_69] : memref<10240xf32, #tpu.memory_space<vmem_shared>> -> memref<10240xf32, #tpu.memory_space<vmem_shared>>
        tpu.enqueue_indirect_dma source(%arg6 : memref<128xf32, #tpu.memory_space<vmem>>) target(%dma_start3A_70 : memref<10240xf32, #tpu.memory_space<vmem_shared>>) offsets(%dma_start3A_68 : memref<128xi32, #tpu.memory_space<vmem>>) semaphore(%arg8 : memref<!tpu.dma_semaphore, #tpu.memory_space<semaphore_mem>>) {add = true}
      }
      %while3A_55 = arith.constant 0 : i32
      %while3A_56 = arith.constant 0 : i32
      %while3A_57 = arith.constant 16 : i32
      %while3A_58 = arith.subi %while3A_57, %while3A_56 : i32
      %while3A_59 = arith.addi %while3A_56, %while3A_58 : i32
      %while3A_60 = arith.constant 1 : i32
      %while3A_61 = arith.divsi %while3A_58, %while3A_60 : i32
      %while3A_62 = arith.muli %while3A_61, %while3A_60 : i32
      %while3A_63 = arith.addi %while3A_56, %while3A_62 : i32
      %while3A_64 = arith.constant 1 : i32
      scf.for %while3A_66 = %while3A_56 to %while3A_63 step %while3A_64  : i32 {
        %dma_wait3A = arith.constant 0 : i32
        %dma_wait3A_67 = tpu.memref_slice %arg5[%while3A_66, %dma_wait3A] : memref<16x128xi32, #tpu.memory_space<vmem>> -> memref<1x128xi32, #tpu.memory_space<vmem>>
        %dma_wait3A_68 = tpu.memref_squeeze %dma_wait3A_67 : memref<1x128xi32, #tpu.memory_space<vmem>> -> memref<128xi32, #tpu.memory_space<vmem>>
        %dma_wait3A_69 = arith.constant 0 : i32
        %dma_wait3A_70 = tpu.memref_slice %arg4[%dma_wait3A_69] : memref<10240xf32, #tpu.memory_space<vmem_shared>> -> memref<10240xf32, #tpu.memory_space<vmem_shared>>
        tpu.wait_indirect_dma semaphore(%arg8 : memref<!tpu.dma_semaphore, #tpu.memory_space<semaphore_mem>>) src(%arg6 : memref<128xf32, #tpu.memory_space<vmem>>) dst(%dma_wait3A_70 : memref<10240xf32, #tpu.memory_space<vmem_shared>>)
      }
      %while3A_65 = arith.constant 1 : i32
      scf.for %while3A_66 = %while3A_63 to %while3A_59 step %while3A_65  : i32 {
        %dma_wait3A = arith.constant 0 : i32
        %dma_wait3A_67 = tpu.memref_slice %arg5[%while3A_66, %dma_wait3A] : memref<16x128xi32, #tpu.memory_space<vmem>> -> memref<1x128xi32, #tpu.memory_space<vmem>>
        %dma_wait3A_68 = tpu.memref_squeeze %dma_wait3A_67 : memref<1x128xi32, #tpu.memory_space<vmem>> -> memref<128xi32, #tpu.memory_space<vmem>>
        %dma_wait3A_69 = arith.constant 0 : i32
        %dma_wait3A_70 = tpu.memref_slice %arg4[%dma_wait3A_69] : memref<10240xf32, #tpu.memory_space<vmem_shared>> -> memref<10240xf32, #tpu.memory_space<vmem_shared>>
        tpu.wait_indirect_dma semaphore(%arg8 : memref<!tpu.dma_semaphore, #tpu.memory_space<semaphore_mem>>) src(%arg6 : memref<128xf32, #tpu.memory_space<vmem>>) dst(%dma_wait3A_70 : memref<10240xf32, #tpu.memory_space<vmem_shared>>)
      }
    }
    %barrier3A_37 = arith.constant 0 : index
    tpu.barrier barrier_id(%barrier3A_37)
    %eq3A = arith.constant 0 : i32
    %eq3A_38 = arith.cmpi eq, %arg1, %eq3A : i32
    %convert_element_type3A = arith.extui %eq3A_38 : i1 to i32
    %cond3A = arith.constant 0 : i32
    %cond3A_39 = arith.cmpi ne, %convert_element_type3A, %cond3A : i32
    scf.if %cond3A_39 {
      "tpu.region"() ({
        %run_scoped3A = tpu.sem_alloc : memref<!tpu.dma_semaphore, #tpu.memory_space<semaphore_mem>>
        %dma_start3A = arith.constant 0 : i32
        %dma_start3A_40 = tpu.memref_slice %arg3[%arg0, %dma_start3A] : memref<2x10240xf32, #tpu.memory_space<hbm>> -> memref<1x10240xf32, #tpu.memory_space<hbm>>
        %dma_start3A_41 = tpu.memref_squeeze %dma_start3A_40 : memref<1x10240xf32, #tpu.memory_space<hbm>> -> memref<10240xf32, #tpu.memory_space<hbm>>
        tpu.enqueue_dma source(%arg4 : memref<10240xf32, #tpu.memory_space<vmem_shared>>) target(%dma_start3A_41 : memref<10240xf32, #tpu.memory_space<hbm>>) target_semaphore(%run_scoped3A : memref<!tpu.dma_semaphore, #tpu.memory_space<semaphore_mem>>)
        %dma_wait3A = arith.constant 0 : i32
        %dma_wait3A_42 = tpu.memref_slice %arg3[%arg0, %dma_wait3A] : memref<2x10240xf32, #tpu.memory_space<hbm>> -> memref<1x10240xf32, #tpu.memory_space<hbm>>
        %dma_wait3A_43 = tpu.memref_squeeze %dma_wait3A_42 : memref<1x10240xf32, #tpu.memory_space<hbm>> -> memref<10240xf32, #tpu.memory_space<hbm>>
        tpu.wait_dma2 semaphore(%run_scoped3A : memref<!tpu.dma_semaphore, #tpu.memory_space<semaphore_mem>>) src(%arg4 : memref<10240xf32, #tpu.memory_space<vmem_shared>>) dst(%dma_wait3A_43 : memref<10240xf32, #tpu.memory_space<hbm>>)
        tpu.yield
      }) : () -> ()
    } else {
    }
    return
  }
}

module attributes {stable_mosaic.version = 14 : i64} {
  func.func @tc_transform(%arg0: i32, %arg1: memref<2000x128xf32, #tpu.memory_space<vmem>>, %arg2: memref<128x128xf32, #tpu.memory_space<vmem>>, %arg3: memref<1x128xf32, #tpu.memory_space<vmem>>, %arg4: memref<2x2000x1xf32, #tpu.memory_space<vmem>>, %arg5: memref<2000x128xf32, #tpu.memory_space<vmem>>) attributes {dimension_semantics = [#tpu.dimension_semantics<arbitrary>], iteration_bounds = array<i64: 5>, scalar_prefetch = 0 : i64, scratch_operands = 0 : i64, tpu.core_type = #tpu.core_type<tc>, window_params = [{transform_indices = @transform_0, window_bounds = array<i64: 2000, 128>}, {pipeline_mode = #tpu.pipeline_mode<synchronous>, transform_indices = @transform_1, window_bounds = array<i64: 128, 128>}, {pipeline_mode = #tpu.pipeline_mode<synchronous>, transform_indices = @transform_2, window_bounds = array<i64: 1, 128>}, {transform_indices = @transform_3, window_bounds = array<i64: 2, 2000, 1>}, {transform_indices = @transform_4, window_bounds = array<i64: 2000, 128>}]} {
    %get3A = arith.constant 0 : index
    %get3A_0 = arith.constant 0 : index
    %get3A_1 = vector.load %arg1[%get3A, %get3A_0] : memref<2000x128xf32, #tpu.memory_space<vmem>>, vector<2000x128xf32>
    %get3A_2 = arith.constant 0 : index
    %get3A_3 = arith.constant 0 : index
    %get3A_4 = vector.load %arg2[%get3A_2, %get3A_3] : memref<128x128xf32, #tpu.memory_space<vmem>>, vector<128x128xf32>
    %dot_general3A = arith.constant dense<0.000000e+00> : vector<2000x128xf32>
    %dot_general3A_5 = tpu.matmul %get3A_1, %get3A_4, %dot_general3A {dimension_numbers = #tpu.dot_dimension_numbers<[1], [1], [0], [0], [0, 0, 1, 0], [], []>, transpose_lhs_hint = false} : vector<2000x128xf32>, vector<128x128xf32>, vector<2000x128xf32> -> vector<2000x128xf32>
    %get3A_6 = arith.constant 0 : index
    %get3A_7 = arith.constant 0 : index
    %get3A_8 = vector.load %arg3[%get3A_6, %get3A_7] : memref<1x128xf32, #tpu.memory_space<vmem>>, vector<1x128xf32>
    %add3A = vector.broadcast %get3A_8 : vector<1x128xf32> to vector<2000x128xf32>
    %add3A_9 = arith.addf %dot_general3A_5, %add3A : vector<2000x128xf32>
    %get3A_10 = arith.constant 0 : index
    %get3A_11 = arith.constant 0 : index
    %get3A_12 = arith.constant 0 : index
    %get3A_13 = vector.load %arg4[%get3A_10, %get3A_11, %get3A_12] : memref<2x2000x1xf32, #tpu.memory_space<vmem>>, vector<1x2000x1xf32>
    %get3A_14 = vector.shape_cast %get3A_13 : vector<1x2000x1xf32> to vector<2000x1xf32>
    %get3A_15 = arith.constant 1 : index
    %get3A_16 = arith.constant 0 : index
    %get3A_17 = arith.constant 0 : index
    %get3A_18 = vector.load %arg4[%get3A_15, %get3A_16, %get3A_17] : memref<2x2000x1xf32, #tpu.memory_space<vmem>>, vector<1x2000x1xf32>
    %get3A_19 = vector.shape_cast %get3A_18 : vector<1x2000x1xf32> to vector<2000x1xf32>
    %add3A_20 = arith.addf %get3A_14, %get3A_19 : vector<2000x1xf32>
    %add3A_21 = arith.constant 1.000000e+00 : f32
    %add3A_22 = vector.broadcast %add3A_21 : f32 to vector<2000x1xf32>
    %add3A_23 = arith.addf %add3A_20, %add3A_22 : vector<2000x1xf32>
    %rsqrt3A = math.rsqrt %add3A_23 : vector<2000x1xf32>
    %mul3A = vector.broadcast %rsqrt3A : vector<2000x1xf32> to vector<2000x128xf32>
    %mul3A_24 = arith.mulf %add3A_9, %mul3A : vector<2000x128xf32>
    %swap3A = arith.constant 0 : index
    %swap3A_25 = arith.constant 0 : index
    %swap3A_26 = vector.load %arg5[%swap3A, %swap3A_25] : memref<2000x128xf32, #tpu.memory_space<vmem>>, vector<2000x128xf32>
    tpu.vector_store %arg5[%swap3A, %swap3A_25], %mul3A_24 {strides = array<i32>} : memref<2000x128xf32, #tpu.memory_space<vmem>>, vector<2000x128xf32>,
    return
  }
  func.func @transform_0(%arg0: i32) -> (i32, i32) {
    %c0_i32 = arith.constant 0 : i32
    %c0_i32_0 = arith.constant 0 : i32
    return %arg0, %c0_i32 : i32, i32
  }
  func.func @transform_1(%arg0: i32) -> (i32, i32) {
    %c0_i32 = arith.constant 0 : i32
    %c0_i32_0 = arith.constant 0 : i32
    %c0_i32_1 = arith.constant 0 : i32
    return %c0_i32, %c0_i32_0 : i32, i32
  }
  func.func @transform_2(%arg0: i32) -> (i32, i32) {
    %c0_i32 = arith.constant 0 : i32
    %c0_i32_0 = arith.constant 0 : i32
    %c0_i32_1 = arith.constant 0 : i32
    return %c0_i32, %c0_i32_0 : i32, i32
  }
  func.func @transform_3(%arg0: i32) -> (i32, i32, i32) {
    %c0_i32 = arith.constant 0 : i32
    %c0_i32_0 = arith.constant 0 : i32
    %c0_i32_1 = arith.constant 0 : i32
    return %c0_i32, %arg0, %c0_i32_0 : i32, i32, i32
  }
  func.func @transform_4(%arg0: i32) -> (i32, i32) {
    %c0_i32 = arith.constant 0 : i32
    %c0_i32_0 = arith.constant 0 : i32
    return %arg0, %c0_i32 : i32, i32
  }
}

module attributes {stable_mosaic.version = 14 : i64} {
  func.func @tc_finalize(%arg0: i32, %arg1: memref<2x2000x128xf32, #tpu.memory_space<vmem>>, %arg2: memref<2000x128xf32, #tpu.memory_space<vmem>>, %arg3: memref<2x2000x1xf32, #tpu.memory_space<vmem>>, %arg4: memref<2000x128xf32, #tpu.memory_space<vmem>>) attributes {dimension_semantics = [#tpu.dimension_semantics<arbitrary>], iteration_bounds = array<i64: 5>, scalar_prefetch = 0 : i64, scratch_operands = 0 : i64, tpu.core_type = #tpu.core_type<tc>, window_params = [{transform_indices = @transform_0, window_bounds = array<i64: 2, 2000, 128>}, {transform_indices = @transform_1, window_bounds = array<i64: 2000, 128>}, {transform_indices = @transform_2, window_bounds = array<i64: 2, 2000, 1>}, {transform_indices = @transform_3, window_bounds = array<i64: 2000, 128>}]} {
    %get3A = arith.constant 0 : index
    %get3A_0 = arith.constant 0 : index
    %get3A_1 = arith.constant 0 : index
    %get3A_2 = vector.load %arg3[%get3A, %get3A_0, %get3A_1] : memref<2x2000x1xf32, #tpu.memory_space<vmem>>, vector<1x2000x1xf32>
    %get3A_3 = vector.shape_cast %get3A_2 : vector<1x2000x1xf32> to vector<2000x1xf32>
    %get3A_4 = arith.constant 1 : index
    %get3A_5 = arith.constant 0 : index
    %get3A_6 = arith.constant 0 : index
    %get3A_7 = vector.load %arg3[%get3A_4, %get3A_5, %get3A_6] : memref<2x2000x1xf32, #tpu.memory_space<vmem>>, vector<1x2000x1xf32>
    %get3A_8 = vector.shape_cast %get3A_7 : vector<1x2000x1xf32> to vector<2000x1xf32>
    %add3A = arith.addf %get3A_3, %get3A_8 : vector<2000x1xf32>
    %add3A_9 = arith.constant 1.000000e+00 : f32
    %add3A_10 = vector.broadcast %add3A_9 : f32 to vector<2000x1xf32>
    %add3A_11 = arith.addf %add3A, %add3A_10 : vector<2000x1xf32>
    %rsqrt3A = math.rsqrt %add3A_11 : vector<2000x1xf32>
    %get3A_12 = arith.constant 0 : index
    %get3A_13 = arith.constant 0 : index
    %get3A_14 = arith.constant 0 : index
    %get3A_15 = vector.load %arg1[%get3A_12, %get3A_13, %get3A_14] : memref<2x2000x128xf32, #tpu.memory_space<vmem>>, vector<1x2000x128xf32>
    %get3A_16 = vector.shape_cast %get3A_15 : vector<1x2000x128xf32> to vector<2000x128xf32>
    %get3A_17 = arith.constant 1 : index
    %get3A_18 = arith.constant 0 : index
    %get3A_19 = arith.constant 0 : index
    %get3A_20 = vector.load %arg1[%get3A_17, %get3A_18, %get3A_19] : memref<2x2000x128xf32, #tpu.memory_space<vmem>>, vector<1x2000x128xf32>
    %get3A_21 = vector.shape_cast %get3A_20 : vector<1x2000x128xf32> to vector<2000x128xf32>
    %add3A_22 = arith.addf %get3A_16, %get3A_21 : vector<2000x128xf32>
    %get3A_23 = arith.constant 0 : index
    %get3A_24 = arith.constant 0 : index
    %get3A_25 = vector.load %arg2[%get3A_23, %get3A_24] : memref<2000x128xf32, #tpu.memory_space<vmem>>, vector<2000x128xf32>
    %add3A_26 = arith.addf %add3A_22, %get3A_25 : vector<2000x128xf32>
    %mul3A = vector.broadcast %rsqrt3A : vector<2000x1xf32> to vector<2000x128xf32>
    %mul3A_27 = arith.mulf %add3A_26, %mul3A : vector<2000x128xf32>
    %max3A = arith.constant 0.000000e+00 : f32
    %max3A_28 = vector.broadcast %max3A : f32 to vector<2000x128xf32>
    %max3A_29 = arith.maximumf %mul3A_27, %max3A_28 : vector<2000x128xf32>
    %swap3A = arith.constant 0 : index
    %swap3A_30 = arith.constant 0 : index
    %swap3A_31 = vector.load %arg4[%swap3A, %swap3A_30] : memref<2000x128xf32, #tpu.memory_space<vmem>>, vector<2000x128xf32>
    tpu.vector_store %arg4[%swap3A, %swap3A_30], %max3A_29 {strides = array<i32>} : memref<2000x128xf32, #tpu.memory_space<vmem>>, vector<2000x128xf32>,
    return
  }
  func.func @transform_0(%arg0: i32) -> (i32, i32, i32) {
    %c0_i32 = arith.constant 0 : i32
    %c0_i32_0 = arith.constant 0 : i32
    %c0_i32_1 = arith.constant 0 : i32
    return %c0_i32, %arg0, %c0_i32_0 : i32, i32, i32
  }
  func.func @transform_1(%arg0: i32) -> (i32, i32) {
    %c0_i32 = arith.constant 0 : i32
    %c0_i32_0 = arith.constant 0 : i32
    return %arg0, %c0_i32 : i32, i32
  }
  func.func @transform_2(%arg0: i32) -> (i32, i32, i32) {
    %c0_i32 = arith.constant 0 : i32
    %c0_i32_0 = arith.constant 0 : i32
    %c0_i32_1 = arith.constant 0 : i32
    return %c0_i32, %arg0, %c0_i32_0 : i32, i32, i32
  }
  func.func @transform_3(%arg0: i32) -> (i32, i32) {
    %c0_i32 = arith.constant 0 : i32
    %c0_i32_0 = arith.constant 0 : i32
    return %arg0, %c0_i32 : i32, i32
  }
}

</mosaic_0001>

<sc_bundles>
// kernel: sc_aggregate.3.cloned.1.call-start
scs
__scs_entry_jumppad:
0x0: {  	(pc) =	sbr.rel $0x88, $3  }
0x1: {  	(tag) =	ssettag $0x0;
	lr =	simm.s32 $0x1  }
0x2: {  	[smem:$0x3F9D] =	sst lr;
	_ =	strace $0xD0000000  }
0x3: {  	_ = 	snop  }
0x4: {  	_ = 	snop  }
0x5: {  	_ = 	snop  }
0x6: {  	_ = 	snop  }
0x7: {  	_ = 	snop  }
__scs_overlays_trampoline_lowered:
0x8: {  	[smem:$0x3FAC] =	sst s0  }
0x9: {  	[smem:$0x3FAD] =	sst s1  }
0xa: {  	[smem:$0x3FAE] =	sst s2  }
0xb: {  	[smem:$0x3FAF] =	sst s3  }
0xc: {  	[smem:$0x3FB0] =	sst s4  }
0xd: {  	[smem:$0x3FB1] =	sst s5  }
0xe: {  	[smem:$0x3FB2] =	sst s6  }
0xf: {  	[smem:$0x3FB3] =	sst s7  }
0x10: {  	[smem:$0x3FB4] =	sst s8  }
0x11: {  	[smem:$0x3FB5] =	sst s9;
	s0 =	simm.s32 @!p0 $0x0  }
0x12: {  	s1 =	sld [smem:$0x3F9B];
	s0 =	simm.s32 @p0 $0x1  }
0x13: {  	[smem:$0x3FB6] =	sst s0;
	s0 =	simm.s32 @!p1 $0x0  }
0x14: {  	s2 =	sld [smem:$0x3F9A];
	s0 =	simm.s32 @p1 $0x1  }
0x15: {  	[smem:$0x3FB7] =	sst s0;
	s0 =	simm.s32 @!p2 $0x0  }
0x16: {  	s3 =	sld [smem:$0x3FDB];
	s0 =	simm.s32 @p2 $0x1  }
0x17: {  	s4 =	simm.s32 $0x1BF5;
	[smem:$0x3FB9] =	sst s0  }
0x18: {  	s0 =	sld [smem:$0x3F9C];
	_ =	swait.ge [sflag:s4], $0x0  }
0x19: {  	s7 =	sld [smem:$0x3F9D]  }
0x1a: {  	s8 =	sadd.s32 $0xFFFFE003, lr  }
0x1b: {  	s9 =	sadd.s32 $0xFFFFFEF7, lr;
	s5 =	simm.s32 $0xFFFFFFFF;
	p2 =	slt.u32 s8, $0xFFFFF086  }
0x1c: {  	p1 =	slt.u32 s9, $0xF7A;
	s5 =	simm.s32 @!p2 $0x0  }
0x1d: {  	s5 =	simm.s32 @p1 $0x1;
	p0 =	seq.s32 s7, s2  }
0x1e: {  	s7 =	smul.u32 @!p0 $0xF7A, s2;
	p2 =	seq.s32 @!p0 s5, $0x0  }
0x1f: {  	s9 =	smul.u32 $0xF7A, s1;
	s8 =	simm.s32 @!p0 $0x1BF5;
	p2 =	por !p2, p0  }
0x20: {  	[sflag:s8] =	ssyncset.s32 @!p0 $0xFFFFF086;
	s6 =	sadd.s32 @!p0 s3, s7;
	s7 =	simm.s32 @!p0 $0x108  }
0x21: {  	s3 =	sadd.s32 s3, s9;
	s6 =	sadd.s32 @!p0 $0x88, s6;
	s7 =	simm.s32 @p2 $0x1082  }
0x22: {  	[simem:s7], [sflag:s8] =	dma.local @!p0 [hbm:s6], $0xF7A  }
0x23: {  	s9 =	sor.u32 $0xD0000000, s2;
	s6 =	simm.s32 $0x108;
	_ =	swait.ge @!p0 [sflag:s8], $0x0  }
0x24: {  	s3 =	sadd.s32 $0x88, s3;
	s6 =	simm.s32 @!p1 $0x1082;
	[sflag:s4] =	ssyncset.s32 $0xFFFFF086  }
0x25: {  	[simem:s6], [sflag:s4] =	dma.local [hbm:s3], $0xF7A  }
0x26: {  	[smem:$0x3F9D] =	sst s1;
	(tag) =	ssettag s2;
	_ =	strace s9  }
0x27: {  	s1 =	sld [smem:$0x3FAD]  }
0x28: {  	s2 =	sld [smem:$0x3FAE]  }
0x29: {  	s4 =	sld [smem:$0x3FB0]  }
0x2a: {  	p0 =	seq.s32 s5, $0x0;
	s5 =	sld [smem:$0x3FB1]  }
0x2b: {  	s6 =	sld [smem:$0x3FB2]  }
0x2c: {  	s7 =	sld [smem:$0x3FB3]  }
0x2d: {  	s3 =	simm.s32 $0x108;
	s8 =	sld [smem:$0x3FB4]  }
0x2e: {  	s3 =	simm.s32 @!p0 $0x1082;
	s9 =	sld [smem:$0x3FB5]  }
0x2f: {  	lr =	sadd.s32 s0, s3;
	s0 =	sld [smem:$0x3FAC]  }
0x30: {  	s3 =	sld [smem:$0x3FAF]  }
0x31: {  	[smem:$0x3FB8] =	sst s10  }
0x32: {  	s10 =	sld [smem:$0x3FB6];
	_ =	sdelay $0x3  }
0x33: {  	p0 =	seq.s32 s10, $0x1;
	s10 =	sld [smem:$0x3FB8];
	_ =	sdelay $0x3  }
0x34: {  	[smem:$0x3FB8] =	sst s10  }
0x35: {  	s10 =	sld [smem:$0x3FB7];
	_ =	sdelay $0x3  }
0x36: {  	p1 =	seq.s32 s10, $0x1;
	s10 =	sld [smem:$0x3FB8];
	_ =	sdelay $0x3  }
0x37: {  	[smem:$0x3FB8] =	sst s10  }
0x38: {  	s10 =	sld [smem:$0x3FB9]  }
0x39: {  	_ = 	snop;
	(pc) =	sbr.ind lr, $3  }
0x3a: {  	_ = 	snop  }
0x3b: {  	_ = 	snop  }
0x3c: {  	p2 =	seq.s32 s10, $0x1;
	s10 =	sld [smem:$0x3FB8]  }
0x3d: {  	_ =	shalt  }
0x3e: {  	_ =	shalt  }
0x3f: {  	_ =	shalt  }
0x40: {  	_ =	shalt  }
0x41: {  	_ =	shalt  }
0x42: {  	_ =	shalt  }
0x43: {  	_ =	shalt  }
0x44: {  	_ =	shalt  }
0x45: {  	_ =	shalt  }
0x46: {  	_ =	shalt  }
0x47: {  	_ =	shalt  }
0x48: {  	_ =	shalt  }
0x49: {  	_ =	shalt  }
0x4a: {  	_ =	shalt  }
0x4b: {  	_ =	shalt  }
0x4c: {  	_ =	shalt  }
0x4d: {  	_ =	shalt  }
0x4e: {  	_ =	shalt  }
0x4f: {  	_ =	shalt  }
0x50: {  	_ =	shalt  }
0x51: {  	_ =	shalt  }
0x52: {  	_ =	shalt  }
0x53: {  	_ =	shalt  }
0x54: {  	_ =	shalt  }
0x55: {  	_ =	shalt  }
0x56: {  	_ =	shalt  }
0x57: {  	_ =	shalt  }
0x58: {  	_ =	shalt  }
0x59: {  	_ =	shalt  }
0x5a: {  	_ =	shalt  }
0x5b: {  	_ =	shalt  }
0x5c: {  	_ =	shalt  }
0x5d: {  	_ =	shalt  }
0x5e: {  	_ =	shalt  }
0x5f: {  	_ =	shalt  }
0x60: {  	_ =	shalt  }
0x61: {  	_ =	shalt  }
0x62: {  	_ =	shalt  }
0x63: {  	_ =	shalt  }
0x64: {  	_ =	shalt  }
0x65: {  	_ =	shalt  }
0x66: {  	_ =	shalt  }
0x67: {  	_ =	shalt  }
0x68: {  	_ =	shalt  }
0x69: {  	_ =	shalt  }
0x6a: {  	_ =	shalt  }
0x6b: {  	_ =	shalt  }
0x6c: {  	_ =	shalt  }
0x6d: {  	_ =	shalt  }
0x6e: {  	_ =	shalt  }
0x6f: {  	_ =	shalt  }
0x70: {  	_ =	shalt  }
0x71: {  	_ =	shalt  }
0x72: {  	_ =	shalt  }
0x73: {  	_ =	shalt  }
0x74: {  	_ =	shalt  }
0x75: {  	_ =	shalt  }
0x76: {  	_ =	shalt  }
0x77: {  	_ =	shalt  }
0x78: {  	_ =	shalt  }
0x79: {  	_ =	shalt  }
0x7a: {  	_ =	shalt  }
0x7b: {  	_ =	shalt  }
0x7c: {  	_ =	shalt  }
0x7d: {  	_ =	shalt  }
0x7e: {  	_ =	shalt  }
0x7f: {  	_ =	shalt  }
0x80: {  	_ =	shalt  }
0x81: {  	_ =	shalt  }
0x82: {  	_ =	shalt  }
0x83: {  	_ =	shalt  }
0x84: {  	_ =	shalt  }
0x85: {  	_ =	shalt  }
0x86: {  	_ =	shalt  }
0x87: {  	_ =	shalt  }
.Lfunc_end0:
.L_simem_size_0:
called_computation.1_lowered:
.L_overlay_start_0:
0x88: {  	s2 =	sld [smem:$0x3FD9]  }
0x89: {  	s3 =	sld [smem:$0x3FFE];
	_ =	sdelay $0x1  }
0x8a: {  	s1 =	srdreg.scid  }
0x8b: {  	s0 =	sand.u32 $0x1, s1  }
0x8c: {  	s17 =	sshll.u32 s0, $0xA;
	s2 =	sadd.s32 s3, s2  }
0x8d: {  	s2 =	sadd.s32 s2, s17  }
0x8e: {  	[smem:$0x3FC4] =	sst s2  }
0x8f: {  	_ = 	snop  }
0x90: {  	s2 =	sld [smem:$0x3FD0];
	(tm) =	ssettm $0x1  }
0x91: {  	s18 =	sld [smem:$0x3FFB];
	_ =	sdelay $0x3  }
0x92: {  	_ =	strace s18  }
0x93: {  	s3 =	sld [smem:$0x3FFC];
	_ =	sdelay $0x3  }
0x94: {  	_ =	strace s3  }
0x95: {  	s3 =	sld [smem:$0x3FFD];
	_ =	sdelay $0x3  }
0x96: {  	_ =	strace s3  }
0x97: {  	_ =	strace $0x8FFFFFFF  }
0x98: {  	s19 =	sld [smem:$0x3FDB];
	_ =	sdelay $0x1  }
0x99: {  	s4 =	simm.s32 $_scs_section_size  }
0x9a: {  	s5 =	simm.s32 $_size__tile_overlayer_lowered;
	s6 =	simm.s32 $_tile_overlayer_lowered  }
0x9b: {  	s22 =	simm.s32 $0x1BFF;
	s21 =	sshll.u32 s6, $0x1;
	s3 =	sadd.s32 s4, s19  }
0x9c: {  	s7 =	simm.s32 $0x0;
	s20 =	sshll.u32 s5, $0x1;
	s5 =	sadd.s32 s21, s3  }
0x9d: {  	[timem:s7], [sflag:s22] =	dma.local [hbm:s5], s20  }
0x9e: {  	_ =	swait.ge [sflag:s22], s20  }
0x9f: {  	s4 =	ssub.s32 $0x0, s20;
	[sflag:s22] =	ssyncset.done $0x0  }
0xa0: {  	[sflag:s22] =	ssyncadd.s32 s4;
	_ =	sdelay $0x1  }
0xa1: {  	s23 =	simm.s32 $0x1B8B  }
0xa2: {  	_ =	swait.ge [sflag:s23], $0x1  }
0xa3: {  	[sflag:s23] =	ssyncset.done $0x0  }
0xa4: {  	s25 =	simm.s32 $0x1B8E;
	s24 =	sld [smem:$0x3FFE];
	[sflag:s23] =	ssyncadd.s32 $0xFFFFFFFF  }
0xa5: {  	s26 =	simm.s32 $execute0_lowered;
	[smem:$0x3FD2] =	sst s25  }
0xa6: {  	s5 =	sshll.u32 s26, $0x1;
	_ =	strace $0x80000049;
	[dreg:$0x1] =	wrdreg $0xFFFFFFFF  }
0xa7: {  	s28 =	simm.s32 $_size_execute0_lowered;
	s3 =	sadd.s32 s3, s5;
	[dreg:$0x0] =	wrdreg $0x0  }
0xa8: {  	s5 =	sshll.u32 s28, $0x1;
	[dreg:$0x2] =	wrdreg s3  }
0xa9: {  	[dreg:$0x3] =	wrdreg s5  }
0xaa: {  	[dreg:$0x4] =	wrdreg $0xC0  }
0xab: {  	_ =	task [dreg:s7], $0x5FFFF  }
0xac: {  	[dreg:$0x1] =	wrdreg $0xFFFFFFFF  }
0xad: {  	[dreg:$0x0] =	wrdreg $0x60  }
0xae: {  	[dreg:$0x2] =	wrdreg s2  }
0xaf: {  	[dreg:$0x3] =	wrdreg s24  }
0xb0: {  	[dreg:$0x4] =	wrdreg $0x0  }
0xb1: {  	[dreg:$0x5] =	wrdreg $0x9  }
0xb2: {  	_ =	task.clear_ibuf [dreg:s7], $0x6FFFF;
	_ =	strace $0x90000049  }
0xb3: {  	s29 =	simm.s32 $0x9;
	_ =	strace $0x8000004B  }
0xb4: {  	_ =	swait.ge [sflag:s29], $0x1  }
0xb5: {  	[sflag:s29] =	ssyncadd.s32 $0xFFFFFFFF  }
0xb6: {  	_ =	strace $0x9000004B  }
0xb7: {  	_ =	sfence  }
0xb8: {  	s30 =	sld [smem:$0x0];
	_ =	sdelay $0x2  }
0xb9: {  	s31 =	sshll.u32 s1, $0xD;
	s1 =	sshrl.u32 s1, $0x2  }
0xba: {  	s3 =	sand.u32 $0x4000, s31;
	s1 =	sadd.s32 s1, s30  }
0xbb: {  	s0 =	sor.u32 s3, s0;
	s1 =	sshll.u32 s1, $0x11  }
0xbc: {  	s0 =	sor.u32 s1, s0  }
0xbd: {  	s0 =	sadd.s32 $0x8F2B, s0  }
0xbe: {  	[sflag:s0] =	ssyncadd.remote.s32 $0x1  }
0xbf: {  	_ =	sfence.sel $0xFFFF  }
0xc0: {  	[dreg:$0x0] =	wrdreg $0xFFFFFFFF;
	(pc) =	sbr.abs _section_cstart, $3  }
0xc1: {  	[dreg:$0x1] =	wrdreg $0xFFFFFFFF  }
0xc2: {  	_ =	task.clear_ibuf [dreg:s7], $0x2FFFF;
	_ =	strace $0x9FFFFFFF  }
0xc3: {  	(tm) =	ssettm $0x7FFFFFFF  }
tec
execute0_lowered:
.L_overlay_start_1:
0x0: {  	(tag) =	ssettag $0x1  }
0x1: {  	s0 =	srdreg.scid  }
0x2: {  	s1 =	rddreg [dreg:$0x0];
	s9 =	stileid.u32  }
0x3: {  	s5 =	rddreg [dreg:$0x1];
	s6 =	smul.u32 $0x2800, s9  }
0x4: {  	s3 =	rddreg [dreg:$0x2];
	s4 =	simm.s32 $0x0;
	s8 =	smul.u32 $0x14000, s9  }
0x5: {  	[smem:$0x7FF] =	sst s4;
	s25 =	smul.u32 $0x50000, s9;
	s9 =	simm.s32 $0x14080  }
0x6: {  	s10 =	simm.s32 $0x14100;
	_ =	strace $0x8000004A;
	[dreg:$0x6] =	wrdreg s9  }
0x7: {  	s12 =	simm.s32 $0x14880;
	s14 =	simm.s32 $0x14180;
	[dreg:$0x7] =	wrdreg s10  }
0x8: {  	s16 =	simm.s32 $0x14900;
	s18 =	simm.s32 $0x14200;
	[dreg:$0x8] =	wrdreg s12  }
0x9: {  	s19 =	simm.s32 $0x14980;
	s20 =	simm.s32 $0x14280;
	[dreg:$0x9] =	wrdreg s14  }
0xa: {  	s21 =	simm.s32 $0x14A00;
	s22 =	simm.s32 $0x14300;
	[dreg:$0xa] =	wrdreg s16  }
0xb: {  	s23 =	simm.s32 $0x14A80;
	s28 =	simm.s32 $0x14600;
	[dreg:$0xb] =	wrdreg s18  }
0xc: {  	s29 =	simm.s32 $0x14D80;
	s0 =	sand.u32 $0x1, s0;
	[dreg:$0xc] =	wrdreg s19  }
0xd: {  	s30 =	simm.s32 $0x14680;
	s2 =	smul.u32 $0x28000, s0;
	[dreg:$0xd] =	wrdreg s20  }
0xe: {  	s31 =	simm.s32 $0x14E00;
	s7 =	smul.u32 $0x140000, s0;
	[dreg:$0xe] =	wrdreg s21  }
0xf: {  	s0 =	ssub.s32 $0x2, s0;
	s12 =	simm.s32 $0x15000;
	[dreg:$0xf] =	wrdreg s22  }
0x10: {  	s14 =	simm.s32 $0x14000;
	s16 =	simm.s32 $0x80;
	[dreg:$0x10] =	wrdreg s23  }
0x11: {  	s18 =	simm.s32 $0x19000;
	s19 =	simm.s32 $0x2;
	s20 =	simm.s32 $0x14B80  }
0x12: {  	s21 =	simm.s32 $0x14480;
	s22 =	simm.s32 $0x14C00;
	s23 =	simm.s32 $0x14500  }
0x13: {  	s26 =	sshrl.u32 s0, $0x1;
	s2 =	sadd.s32 s6, s2;
	s24 =	sadd.s32 s8, s7  }
0x14: {  	s0 =	ssub.s32 s0, s26;
	s7 =	sshrl.u32 s25, $0x2;
	s25 =	simm.s32 $0x14B00  }
0x15: {  	s26 =	simm.s32 $0x14400;
	s2 =	sshrl.u32 s2, $0x3;
	[dreg:$0x12] =	wrdreg s25  }
0x16: {  	s6 =	sshrl.u32 s24, $0x3;
	s0 =	smax.u32 s0, $0x1;
	[dreg:$0x13] =	wrdreg s26  }
0x17: {  	s24 =	simm.s32 $0x14380;
	s2 =	sadd.s32 s2, s5;
	[dreg:$0x16] =	wrdreg s0  }
0x18: {  	s5 =	sadd.s32 s6, s5;
	s6 =	sadd.s32 s7, s3;
	[dreg:$0x11] =	wrdreg s24  }
0x19: {  	s9 =	simm.s32 $0x0;
	s8 =	sadd.s32 $0x1600, s2;
	[dreg:$0x14] =	wrdreg s6  }
0x1a: {  	s25 =	simm.s32 $0x14580;
	s5 =	sadd.s32 $0x65600, s5;
	[dreg:$0x4] =	wrdreg s8  }
0x1b: {  	s26 =	simm.s32 $0x14D00;
	s2 =	sadd.s32 $0xB600, s2;
	[dreg:$0x15] =	wrdreg s5  }
0x1c: {  	s24 =	simm.s32 $0x14C80;
	s11 =	sadd.s32 $0x4000, s6;
	[dreg:$0x5] =	wrdreg s2  }
0x1d: {  	s0 =	simm.s32 $0x14E80;
	s13 =	sadd.s32 $0x8000, s6;
	[dreg:$0x17] =	wrdreg s11  }
0x1e: {  	s7 =	simm.s32 $0x14F00;
	s15 =	sadd.s32 $0xC000, s6;
	[dreg:$0x18] =	wrdreg s13  }
0x1f: {  	s17 =	sadd.s32 $0x10000, s6;
	s6 =	simm.s32 $0x14780;
	[dreg:$0x19] =	wrdreg s15  }
0x20: {  	[dreg:$0x1a] =	wrdreg s17;
	s13 =	simm.s32 $0x3;
	s15 =	simm.s32 $0x14800  }
0x21: {  	v0 =	vimm.f32 $0.0e+00;
	s17 =	simm.s32 $0x1;
	s2 =	simm.s32 $0x14700;
	s8 =	simm.s32 $0x14F80  }
.LBB2_1:
0x22: {  	s5 =	sand.u32 $0xFE00, s4  }
0x23: {  	[dreg:$0x1b] =	wrdreg s9;
	s11 =	sand.u32 $0x70, s4;
	s5 =	sshrl.u32 s5, $0x2  }
0x24: {  	s10 =	simm.s32 $0x40;
	s5 =	sor.u32 s11, s5;
	s11 =	simm.s32 $0x0  }
.LBB2_2:
0x25: {  	p0 =	sne.s32 s10, $0xFFC0  }
0x26: {  	[tilespmem:s5+$0x15000] =	vst v0;
	s11 =	sadd.s32 $0x10, s11;
	s5 =	smov.u32 s10;
	s10 =	sadd.s32 $0x40, s10  }
.Ltmp0:
0x27: {  	(pc) =	sbr.rel @p0 .LBB2_2-.Ltmp0, $4  }
0x28: {  	_ = 	snop  }
0x29: {  	s5 =	sand.u32 $0xFE00, s5  }
0x2a: {  	s9 =	sand.u32 $0x70, s11;
	s5 =	sshrl.u32 s5, $0x2  }
0x2b: {  	s5 =	sor.u32 s9, s5  }
0x2c: {  	[tilespmem:s5+$0x15000] =	vst v0;
	s9 =	rddreg [dreg:$0x14]  }
0x2d: {  	[spmem:s9] =	stream.linear.scatter [tilespmem:s12], [sflag:$0x3], $0x4000, $0x38;
	[tilespmem:$0x1D000] =	vst v63  }
0x2e: {  	_ =	swait.ge [sflag:s13], $0x4000  }
0x2f: {  	[sflag:s13] =	ssyncset.done $0x0  }
0x30: {  	s10 =	rddreg [dreg:$0x17];
	[sflag:s13] =	ssyncadd.s32 $0xFFFFC000  }
0x31: {  	[spmem:s10] =	stream.linear.scatter [tilespmem:s12], [sflag:$0x3], $0x4000, $0x38;
	[tilespmem:$0x1D000] =	vst v63  }
0x32: {  	_ =	swait.ge [sflag:s13], $0x4000  }
0x33: {  	[sflag:s13] =	ssyncset.done $0x0  }
0x34: {  	s11 =	rddreg [dreg:$0x18];
	[sflag:s13] =	ssyncadd.s32 $0xFFFFC000  }
0x35: {  	[spmem:s11] =	stream.linear.scatter [tilespmem:s12], [sflag:$0x3], $0x4000, $0x38;
	[tilespmem:$0x1D000] =	vst v63  }
0x36: {  	_ =	swait.ge [sflag:s13], $0x4000  }
0x37: {  	[sflag:s13] =	ssyncset.done $0x0  }
0x38: {  	s9 =	rddreg [dreg:$0x19];
	[sflag:s13] =	ssyncadd.s32 $0xFFFFC000  }
0x39: {  	[spmem:s9] =	stream.linear.scatter [tilespmem:s12], [sflag:$0x3], $0x4000, $0x38;
	[tilespmem:$0x1D000] =	vst v63  }
0x3a: {  	_ =	swait.ge [sflag:s13], $0x4000  }
0x3b: {  	[sflag:s13] =	ssyncset.done $0x0  }
0x3c: {  	s10 =	rddreg [dreg:$0x1a];
	[sflag:s13] =	ssyncadd.s32 $0xFFFFC000  }
0x3d: {  	[spmem:s10] =	stream.linear.scatter [tilespmem:s12], [sflag:$0x3], $0x4000, $0x38;
	[tilespmem:$0x1D000] =	vst v63  }
0x3e: {  	_ =	swait.ge [sflag:s13], $0x4000  }
0x3f: {  	[sflag:s13] =	ssyncset.done $0x0  }
0x40: {  	[sflag:s13] =	ssyncadd.s32 $0xFFFFC000  }
0x41: {  	[bflag:$0x0] =	sbarrier.arrive $0xFFFF  }
0x42: {  	s11 =	rddreg [dreg:$0x5]  }
0x43: {  	s5 =	sadd.s32 $0x0, s11  }
0x44: {  	[tilespmem:s14], [sflag:$0x3] =	stream.linear.gather [hbm4b:s5+s4], $0x800, $0x38;
	[tilespmem:$0x1D000] =	vst v63  }
0x45: {  	_ =	swait.ge [sflag:s13], $0x800  }
0x46: {  	s9 =	rddreg [dreg:$0x4];
	[sflag:s13] =	ssyncset.done $0x0  }
0x47: {  	[sflag:s13] =	ssyncadd.s32 $0xFFFFF800;
	s5 =	sadd.s32 $0x0, s9  }
0x48: {  	[tilespmem:s15], [sflag:$0x3] =	stream.linear.gather [hbm4b:s5+s4], $0x800, $0x38;
	[tilespmem:$0x1D000] =	vst v63  }
0x49: {  	_ =	swait.ge [sflag:s13], $0x800  }
0x4a: {  	[sflag:s13] =	ssyncset.done $0x0  }
0x4b: {  	[sflag:s13] =	ssyncadd.s32 $0xFFFFF800  }
0x4c: {  	[tilespmem:s12], [sflag:$0x1] =	stream.indirect.gather [hbm4b:s1+s16], $0x80, s14, s16, $0xb8;
	[tilespmem:$0x1D000] =	vst v63  }
0x4d: {  	_ =	swait.ge [sflag:s17], $0x4000  }
0x4e: {  	[sflag:s17] =	ssyncset.done $0x0  }
0x4f: {  	s10 =	rddreg [dreg:$0x6];
	[sflag:s17] =	ssyncadd.s32 $0xFFFFC000  }
0x50: {  	[tilespmem:s18], [sflag:$0x2] =	stream.indirect.gather [hbm4b:s1+s16], $0x80, s10, s16, $0xb8;
	[tilespmem:$0x1D000] =	vst v63  }
0x51: {  	_ = 	snop  }
0x52: {  	[spmem:s3] =	stream.indirect.scatter.add.f32 [tilespmem:s12], [sflag:$0x3], $0x80, s15, s16, $0xb8;
	[tilespmem:$0x1D000] =	vst v63  }
0x53: {  	_ =	swait.ge [sflag:s13], $0x4000  }
0x54: {  	[sflag:s13] =	ssyncset.done $0x0  }
0x55: {  	[sflag:s13] =	ssyncadd.s32 $0xFFFFC000  }
0x56: {  	_ =	swait.ge [sflag:s19], $0x4000  }
0x57: {  	[sflag:s19] =	ssyncset.done $0x0  }
0x58: {  	s11 =	rddreg [dreg:$0x7];
	[sflag:s19] =	ssyncadd.s32 $0xFFFFC000  }
0x59: {  	[tilespmem:s12], [sflag:$0x1] =	stream.indirect.gather [hbm4b:s1+s16], $0x80, s11, s16, $0xb8;
	[tilespmem:$0x1D000] =	vst v63  }
0x5a: {  	s9 =	rddreg [dreg:$0x8]  }
0x5b: {  	[spmem:s3] =	stream.indirect.scatter.add.f32 [tilespmem:s18], [sflag:$0x3], $0x80, s9, s16, $0xb8;
	[tilespmem:$0x1D000] =	vst v63  }
0x5c: {  	_ =	swait.ge [sflag:s13], $0x4000  }
0x5d: {  	[sflag:s13] =	ssyncset.done $0x0  }
0x5e: {  	[sflag:s13] =	ssyncadd.s32 $0xFFFFC000  }
0x5f: {  	_ =	swait.ge [sflag:s17], $0x4000  }
0x60: {  	[sflag:s17] =	ssyncset.done $0x0  }
0x61: {  	s10 =	rddreg [dreg:$0x9];
	[sflag:s17] =	ssyncadd.s32 $0xFFFFC000  }
0x62: {  	[tilespmem:s18], [sflag:$0x2] =	stream.indirect.gather [hbm4b:s1+s16], $0x80, s10, s16, $0xb8;
	[tilespmem:$0x1D000] =	vst v63  }
0x63: {  	s11 =	rddreg [dreg:$0xa]  }
0x64: {  	[spmem:s3] =	stream.indirect.scatter.add.f32 [tilespmem:s12], [sflag:$0x3], $0x80, s11, s16, $0xb8;
	[tilespmem:$0x1D000] =	vst v63  }
0x65: {  	_ =	swait.ge [sflag:s13], $0x4000  }
0x66: {  	[sflag:s13] =	ssyncset.done $0x0  }
0x67: {  	[sflag:s13] =	ssyncadd.s32 $0xFFFFC000  }
0x68: {  	_ =	swait.ge [sflag:s19], $0x4000  }
0x69: {  	[sflag:s19] =	ssyncset.done $0x0  }
0x6a: {  	s10 =	rddreg [dreg:$0xb];
	[sflag:s19] =	ssyncadd.s32 $0xFFFFC000  }
0x6b: {  	[tilespmem:s12], [sflag:$0x1] =	stream.indirect.gather [hbm4b:s1+s16], $0x80, s10, s16, $0xb8;
	[tilespmem:$0x1D000] =	vst v63  }
0x6c: {  	s11 =	rddreg [dreg:$0xc]  }
0x6d: {  	[spmem:s3] =	stream.indirect.scatter.add.f32 [tilespmem:s18], [sflag:$0x3], $0x80, s11, s16, $0xb8;
	[tilespmem:$0x1D000] =	vst v63  }
0x6e: {  	_ =	swait.ge [sflag:s13], $0x4000  }
0x6f: {  	[sflag:s13] =	ssyncset.done $0x0  }
0x70: {  	[sflag:s13] =	ssyncadd.s32 $0xFFFFC000  }
0x71: {  	_ =	swait.ge [sflag:s17], $0x4000  }
0x72: {  	[sflag:s17] =	ssyncset.done $0x0  }
0x73: {  	s10 =	rddreg [dreg:$0xd];
	[sflag:s17] =	ssyncadd.s32 $0xFFFFC000  }
0x74: {  	[tilespmem:s18], [sflag:$0x2] =	stream.indirect.gather [hbm4b:s1+s16], $0x80, s10, s16, $0xb8;
	[tilespmem:$0x1D000] =	vst v63  }
0x75: {  	s11 =	rddreg [dreg:$0xe]  }
0x76: {  	[spmem:s3] =	stream.indirect.scatter.add.f32 [tilespmem:s12], [sflag:$0x3], $0x80, s11, s16, $0xb8;
	[tilespmem:$0x1D000] =	vst v63  }
0x77: {  	_ =	swait.ge [sflag:s13], $0x4000  }
0x78: {  	[sflag:s13] =	ssyncset.done $0x0  }
0x79: {  	[sflag:s13] =	ssyncadd.s32 $0xFFFFC000  }
0x7a: {  	_ =	swait.ge [sflag:s19], $0x4000  }
0x7b: {  	[sflag:s19] =	ssyncset.done $0x0  }
0x7c: {  	s10 =	rddreg [dreg:$0xf];
	[sflag:s19] =	ssyncadd.s32 $0xFFFFC000  }
0x7d: {  	[tilespmem:s12], [sflag:$0x1] =	stream.indirect.gather [hbm4b:s1+s16], $0x80, s10, s16, $0xb8;
	[tilespmem:$0x1D000] =	vst v63  }
0x7e: {  	s11 =	rddreg [dreg:$0x10]  }
0x7f: {  	[spmem:s3] =	stream.indirect.scatter.add.f32 [tilespmem:s18], [sflag:$0x3], $0x80, s11, s16, $0xb8;
	[tilespmem:$0x1D000] =	vst v63  }
0x80: {  	_ =	swait.ge [sflag:s13], $0x4000  }
0x81: {  	[sflag:s13] =	ssyncset.done $0x0  }
0x82: {  	[sflag:s13] =	ssyncadd.s32 $0xFFFFC000  }
0x83: {  	_ =	swait.ge [sflag:s17], $0x4000  }
0x84: {  	[sflag:s17] =	ssyncset.done $0x0  }
0x85: {  	s9 =	rddreg [dreg:$0x11];
	[sflag:s17] =	ssyncadd.s32 $0xFFFFC000  }
0x86: {  	[tilespmem:s18], [sflag:$0x2] =	stream.indirect.gather [hbm4b:s1+s16], $0x80, s9, s16, $0xb8;
	[tilespmem:$0x1D000] =	vst v63  }
0x87: {  	s10 =	rddreg [dreg:$0x12]  }
0x88: {  	[spmem:s3] =	stream.indirect.scatter.add.f32 [tilespmem:s12], [sflag:$0x3], $0x80, s10, s16, $0xb8;
	[tilespmem:$0x1D000] =	vst v63  }
0x89: {  	_ =	swait.ge [sflag:s13], $0x4000  }
0x8a: {  	[sflag:s13] =	ssyncset.done $0x0  }
0x8b: {  	[sflag:s13] =	ssyncadd.s32 $0xFFFFC000  }
0x8c: {  	_ =	swait.ge [sflag:s19], $0x4000  }
0x8d: {  	[sflag:s19] =	ssyncset.done $0x0  }
0x8e: {  	s11 =	rddreg [dreg:$0x13];
	[sflag:s19] =	ssyncadd.s32 $0xFFFFC000  }
0x8f: {  	[tilespmem:s12], [sflag:$0x1] =	stream.indirect.gather [hbm4b:s1+s16], $0x80, s11, s16, $0xb8;
	[tilespmem:$0x1D000] =	vst v63  }
0x90: {  	_ = 	snop  }
0x91: {  	[spmem:s3] =	stream.indirect.scatter.add.f32 [tilespmem:s18], [sflag:$0x3], $0x80, s20, s16, $0xb8;
	[tilespmem:$0x1D000] =	vst v63  }
0x92: {  	_ =	swait.ge [sflag:s13], $0x4000  }
0x93: {  	[sflag:s13] =	ssyncset.done $0x0  }
0x94: {  	[sflag:s13] =	ssyncadd.s32 $0xFFFFC000  }
0x95: {  	_ =	swait.ge [sflag:s17], $0x4000  }
0x96: {  	[sflag:s17] =	ssyncset.done $0x0  }
0x97: {  	[sflag:s17] =	ssyncadd.s32 $0xFFFFC000  }
0x98: {  	[tilespmem:s18], [sflag:$0x2] =	stream.indirect.gather [hbm4b:s1+s16], $0x80, s21, s16, $0xb8;
	[tilespmem:$0x1D000] =	vst v63  }
0x99: {  	_ = 	snop  }
0x9a: {  	[spmem:s3] =	stream.indirect.scatter.add.f32 [tilespmem:s12], [sflag:$0x3], $0x80, s22, s16, $0xb8;
	[tilespmem:$0x1D000] =	vst v63  }
0x9b: {  	_ =	swait.ge [sflag:s13], $0x4000  }
0x9c: {  	[sflag:s13] =	ssyncset.done $0x0  }
0x9d: {  	[sflag:s13] =	ssyncadd.s32 $0xFFFFC000  }
0x9e: {  	_ =	swait.ge [sflag:s19], $0x4000  }
0x9f: {  	[sflag:s19] =	ssyncset.done $0x0  }
0xa0: {  	[sflag:s19] =	ssyncadd.s32 $0xFFFFC000  }
0xa1: {  	[tilespmem:s12], [sflag:$0x1] =	stream.indirect.gather [hbm4b:s1+s16], $0x80, s23, s16, $0xb8;
	[tilespmem:$0x1D000] =	vst v63  }
0xa2: {  	_ = 	snop  }
0xa3: {  	[spmem:s3] =	stream.indirect.scatter.add.f32 [tilespmem:s18], [sflag:$0x3], $0x80, s24, s16, $0xb8;
	[tilespmem:$0x1D000] =	vst v63  }
0xa4: {  	_ =	swait.ge [sflag:s13], $0x4000  }
0xa5: {  	[sflag:s13] =	ssyncset.done $0x0  }
0xa6: {  	[sflag:s13] =	ssyncadd.s32 $0xFFFFC000  }
0xa7: {  	_ =	swait.ge [sflag:s17], $0x4000  }
0xa8: {  	[sflag:s17] =	ssyncset.done $0x0  }
0xa9: {  	[sflag:s17] =	ssyncadd.s32 $0xFFFFC000  }
0xaa: {  	[tilespmem:s18], [sflag:$0x2] =	stream.indirect.gather [hbm4b:s1+s16], $0x80, s25, s16, $0xb8;
	[tilespmem:$0x1D000] =	vst v63  }
0xab: {  	_ = 	snop  }
0xac: {  	[spmem:s3] =	stream.indirect.scatter.add.f32 [tilespmem:s12], [sflag:$0x3], $0x80, s26, s16, $0xb8;
	[tilespmem:$0x1D000] =	vst v63  }
0xad: {  	_ =	swait.ge [sflag:s13], $0x4000  }
0xae: {  	[sflag:s13] =	ssyncset.done $0x0  }
0xaf: {  	[sflag:s13] =	ssyncadd.s32 $0xFFFFC000  }
0xb0: {  	_ =	swait.ge [sflag:s19], $0x4000  }
0xb1: {  	[sflag:s19] =	ssyncset.done $0x0  }
0xb2: {  	[sflag:s19] =	ssyncadd.s32 $0xFFFFC000  }
0xb3: {  	[tilespmem:s12], [sflag:$0x1] =	stream.indirect.gather [hbm4b:s1+s16], $0x80, s28, s16, $0xb8;
	[tilespmem:$0x1D000] =	vst v63  }
0xb4: {  	_ = 	snop  }
0xb5: {  	[spmem:s3] =	stream.indirect.scatter.add.f32 [tilespmem:s18], [sflag:$0x3], $0x80, s29, s16, $0xb8;
	[tilespmem:$0x1D000] =	vst v63  }
0xb6: {  	_ =	swait.ge [sflag:s13], $0x4000  }
0xb7: {  	[sflag:s13] =	ssyncset.done $0x0  }
0xb8: {  	[sflag:s13] =	ssyncadd.s32 $0xFFFFC000  }
0xb9: {  	_ =	swait.ge [sflag:s17], $0x4000  }
0xba: {  	[sflag:s17] =	ssyncset.done $0x0  }
0xbb: {  	[sflag:s17] =	ssyncadd.s32 $0xFFFFC000  }
0xbc: {  	[tilespmem:s18], [sflag:$0x2] =	stream.indirect.gather [hbm4b:s1+s16], $0x80, s30, s16, $0xb8;
	[tilespmem:$0x1D000] =	vst v63  }
0xbd: {  	_ = 	snop  }
0xbe: {  	[spmem:s3] =	stream.indirect.scatter.add.f32 [tilespmem:s12], [sflag:$0x3], $0x80, s31, s16, $0xb8;
	[tilespmem:$0x1D000] =	vst v63  }
0xbf: {  	_ =	swait.ge [sflag:s13], $0x4000  }
0xc0: {  	[sflag:s13] =	ssyncset.done $0x0  }
0xc1: {  	[sflag:s13] =	ssyncadd.s32 $0xFFFFC000  }
0xc2: {  	_ =	swait.ge [sflag:s19], $0x4000  }
0xc3: {  	[sflag:s19] =	ssyncset.done $0x0  }
0xc4: {  	[sflag:s19] =	ssyncadd.s32 $0xFFFFC000  }
0xc5: {  	[tilespmem:s12], [sflag:$0x1] =	stream.indirect.gather [hbm4b:s1+s16], $0x80, s2, s16, $0xb8;
	[tilespmem:$0x1D000] =	vst v63  }
0xc6: {  	_ = 	snop  }
0xc7: {  	[spmem:s3] =	stream.indirect.scatter.add.f32 [tilespmem:s18], [sflag:$0x3], $0x80, s0, s16, $0xb8;
	[tilespmem:$0x1D000] =	vst v63  }
0xc8: {  	_ =	swait.ge [sflag:s13], $0x4000  }
0xc9: {  	[sflag:s13] =	ssyncset.done $0x0  }
0xca: {  	[sflag:s13] =	ssyncadd.s32 $0xFFFFC000  }
0xcb: {  	_ =	swait.ge [sflag:s17], $0x4000  }
0xcc: {  	[sflag:s17] =	ssyncset.done $0x0  }
0xcd: {  	[sflag:s17] =	ssyncadd.s32 $0xFFFFC000  }
0xce: {  	[tilespmem:s18], [sflag:$0x2] =	stream.indirect.gather [hbm4b:s1+s16], $0x80, s6, s16, $0xb8;
	[tilespmem:$0x1D000] =	vst v63  }
0xcf: {  	_ = 	snop  }
0xd0: {  	[spmem:s3] =	stream.indirect.scatter.add.f32 [tilespmem:s12], [sflag:$0x3], $0x80, s7, s16, $0xb8;
	[tilespmem:$0x1D000] =	vst v63  }
0xd1: {  	_ =	swait.ge [sflag:s13], $0x4000  }
0xd2: {  	[sflag:s13] =	ssyncset.done $0x0  }
0xd3: {  	[sflag:s13] =	ssyncadd.s32 $0xFFFFC000  }
0xd4: {  	_ =	swait.ge [sflag:s19], $0x4000  }
0xd5: {  	[sflag:s19] =	ssyncset.done $0x0  }
0xd6: {  	[sflag:s19] =	ssyncadd.s32 $0xFFFFC000  }
0xd7: {  	[spmem:s3] =	stream.indirect.scatter.add.f32 [tilespmem:s18], [sflag:$0x3], $0x80, s8, s16, $0xb8;
	[tilespmem:$0x1D000] =	vst v63  }
0xd8: {  	s10 =	simm.s32 $0x100;
	_ =	swait.ge [sflag:s13], $0x4000  }
0xd9: {  	s11 =	simm.s32 $0x200;
	s5 =	rddreg [dreg:$0x5];
	[sflag:s13] =	ssyncset.done $0x0  }
.LBB2_4:
0xda: {  	[sflag:s13] =	ssyncadd.s32 $0xFFFFC000;
	s5 =	sadd.s32 s10, s5  }
0xdb: {  	[tilespmem:s14], [sflag:$0x3] =	stream.linear.gather [hbm4b:s5+s4], $0x800, $0x38;
	[tilespmem:$0x1D000] =	vst v63  }
0xdc: {  	_ =	swait.ge [sflag:s13], $0x800  }
0xdd: {  	s5 =	rddreg [dreg:$0x4];
	[sflag:s13] =	ssyncset.done $0x0  }
0xde: {  	[sflag:s13] =	ssyncadd.s32 $0xFFFFF800;
	s5 =	sadd.s32 s10, s5  }
0xdf: {  	[tilespmem:s15], [sflag:$0x3] =	stream.linear.gather [hbm4b:s5+s4], $0x800, $0x38;
	[tilespmem:$0x1D000] =	vst v63  }
0xe0: {  	_ =	swait.ge [sflag:s13], $0x800  }
0xe1: {  	[sflag:s13] =	ssyncset.done $0x0  }
0xe2: {  	[sflag:s13] =	ssyncadd.s32 $0xFFFFF800  }
0xe3: {  	[tilespmem:s12], [sflag:$0x1] =	stream.indirect.gather [hbm4b:s1+s16], $0x80, s14, s16, $0xb8;
	[tilespmem:$0x1D000] =	vst v63  }
0xe4: {  	_ =	swait.ge [sflag:s17], $0x4000  }
0xe5: {  	s9 =	smov.u32 s11;
	[sflag:s17] =	ssyncset.done $0x0  }
0xe6: {  	s10 =	smov.u32 s9;
	s9 =	rddreg [dreg:$0x6];
	[sflag:s17] =	ssyncadd.s32 $0xFFFFC000  }
0xe7: {  	[tilespmem:s18], [sflag:$0x2] =	stream.indirect.gather [hbm4b:s1+s16], $0x80, s9, s16, $0xb8;
	[tilespmem:$0x1D000] =	vst v63  }
0xe8: {  	_ = 	snop  }
0xe9: {  	[spmem:s3] =	stream.indirect.scatter.add.f32 [tilespmem:s12], [sflag:$0x3], $0x80, s15, s16, $0xb8;
	[tilespmem:$0x1D000] =	vst v63  }
0xea: {  	_ =	swait.ge [sflag:s13], $0x4000  }
0xeb: {  	[sflag:s13] =	ssyncset.done $0x0  }
0xec: {  	[sflag:s13] =	ssyncadd.s32 $0xFFFFC000  }
0xed: {  	_ =	swait.ge [sflag:s19], $0x4000  }
0xee: {  	[sflag:s19] =	ssyncset.done $0x0  }
0xef: {  	s5 =	rddreg [dreg:$0x7];
	[sflag:s19] =	ssyncadd.s32 $0xFFFFC000  }
0xf0: {  	[tilespmem:s12], [sflag:$0x1] =	stream.indirect.gather [hbm4b:s1+s16], $0x80, s5, s16, $0xb8;
	[tilespmem:$0x1D000] =	vst v63  }
0xf1: {  	s9 =	rddreg [dreg:$0x8]  }
0xf2: {  	[spmem:s3] =	stream.indirect.scatter.add.f32 [tilespmem:s18], [sflag:$0x3], $0x80, s9, s16, $0xb8;
	[tilespmem:$0x1D000] =	vst v63  }
0xf3: {  	_ =	swait.ge [sflag:s13], $0x4000  }
0xf4: {  	[sflag:s13] =	ssyncset.done $0x0  }
0xf5: {  	[sflag:s13] =	ssyncadd.s32 $0xFFFFC000  }
0xf6: {  	_ =	swait.ge [sflag:s17], $0x4000  }
0xf7: {  	[sflag:s17] =	ssyncset.done $0x0  }
0xf8: {  	s5 =	rddreg [dreg:$0x9];
	[sflag:s17] =	ssyncadd.s32 $0xFFFFC000  }
0xf9: {  	[tilespmem:s18], [sflag:$0x2] =	stream.indirect.gather [hbm4b:s1+s16], $0x80, s5, s16, $0xb8;
	[tilespmem:$0x1D000] =	vst v63  }
0xfa: {  	s9 =	rddreg [dreg:$0xa]  }
0xfb: {  	[spmem:s3] =	stream.indirect.scatter.add.f32 [tilespmem:s12], [sflag:$0x3], $0x80, s9, s16, $0xb8;
	[tilespmem:$0x1D000] =	vst v63  }
0xfc: {  	_ =	swait.ge [sflag:s13], $0x4000  }
0xfd: {  	[sflag:s13] =	ssyncset.done $0x0  }
0xfe: {  	[sflag:s13] =	ssyncadd.s32 $0xFFFFC000  }
0xff: {  	_ =	swait.ge [sflag:s19], $0x4000  }
0x100: {  	[sflag:s19] =	ssyncset.done $0x0  }
0x101: {  	s5 =	rddreg [dreg:$0xb];
	[sflag:s19] =	ssyncadd.s32 $0xFFFFC000  }
0x102: {  	[tilespmem:s12], [sflag:$0x1] =	stream.indirect.gather [hbm4b:s1+s16], $0x80, s5, s16, $0xb8;
	[tilespmem:$0x1D000] =	vst v63  }
0x103: {  	s9 =	rddreg [dreg:$0xc]  }
0x104: {  	[spmem:s3] =	stream.indirect.scatter.add.f32 [tilespmem:s18], [sflag:$0x3], $0x80, s9, s16, $0xb8;
	[tilespmem:$0x1D000] =	vst v63  }
0x105: {  	_ =	swait.ge [sflag:s13], $0x4000  }
0x106: {  	[sflag:s13] =	ssyncset.done $0x0  }
0x107: {  	[sflag:s13] =	ssyncadd.s32 $0xFFFFC000  }
0x108: {  	_ =	swait.ge [sflag:s17], $0x4000  }
0x109: {  	[sflag:s17] =	ssyncset.done $0x0  }
0x10a: {  	s5 =	rddreg [dreg:$0xd];
	[sflag:s17] =	ssyncadd.s32 $0xFFFFC000  }
0x10b: {  	[tilespmem:s18], [sflag:$0x2] =	stream.indirect.gather [hbm4b:s1+s16], $0x80, s5, s16, $0xb8;
	[tilespmem:$0x1D000] =	vst v63  }
0x10c: {  	s9 =	rddreg [dreg:$0xe]  }
0x10d: {  	[spmem:s3] =	stream.indirect.scatter.add.f32 [tilespmem:s12], [sflag:$0x3], $0x80, s9, s16, $0xb8;
	[tilespmem:$0x1D000] =	vst v63  }
0x10e: {  	_ =	swait.ge [sflag:s13], $0x4000  }
0x10f: {  	[sflag:s13] =	ssyncset.done $0x0  }
0x110: {  	[sflag:s13] =	ssyncadd.s32 $0xFFFFC000  }
0x111: {  	_ =	swait.ge [sflag:s19], $0x4000  }
0x112: {  	[sflag:s19] =	ssyncset.done $0x0  }
0x113: {  	s5 =	rddreg [dreg:$0xf];
	[sflag:s19] =	ssyncadd.s32 $0xFFFFC000  }
0x114: {  	[tilespmem:s12], [sflag:$0x1] =	stream.indirect.gather [hbm4b:s1+s16], $0x80, s5, s16, $0xb8;
	[tilespmem:$0x1D000] =	vst v63  }
0x115: {  	s9 =	rddreg [dreg:$0x10]  }
0x116: {  	[spmem:s3] =	stream.indirect.scatter.add.f32 [tilespmem:s18], [sflag:$0x3], $0x80, s9, s16, $0xb8;
	[tilespmem:$0x1D000] =	vst v63  }
0x117: {  	_ =	swait.ge [sflag:s13], $0x4000  }
0x118: {  	[sflag:s13] =	ssyncset.done $0x0  }
0x119: {  	[sflag:s13] =	ssyncadd.s32 $0xFFFFC000  }
0x11a: {  	_ =	swait.ge [sflag:s17], $0x4000  }
0x11b: {  	[sflag:s17] =	ssyncset.done $0x0  }
0x11c: {  	s5 =	rddreg [dreg:$0x11];
	[sflag:s17] =	ssyncadd.s32 $0xFFFFC000  }
0x11d: {  	[tilespmem:s18], [sflag:$0x2] =	stream.indirect.gather [hbm4b:s1+s16], $0x80, s5, s16, $0xb8;
	[tilespmem:$0x1D000] =	vst v63  }
0x11e: {  	s9 =	rddreg [dreg:$0x12]  }
0x11f: {  	[spmem:s3] =	stream.indirect.scatter.add.f32 [tilespmem:s12], [sflag:$0x3], $0x80, s9, s16, $0xb8;
	[tilespmem:$0x1D000] =	vst v63  }
0x120: {  	_ =	swait.ge [sflag:s13], $0x4000  }
0x121: {  	[sflag:s13] =	ssyncset.done $0x0  }
0x122: {  	[sflag:s13] =	ssyncadd.s32 $0xFFFFC000  }
0x123: {  	_ =	swait.ge [sflag:s19], $0x4000  }
0x124: {  	[sflag:s19] =	ssyncset.done $0x0  }
0x125: {  	s9 =	rddreg [dreg:$0x13];
	[sflag:s19] =	ssyncadd.s32 $0xFFFFC000  }
0x126: {  	[tilespmem:s12], [sflag:$0x1] =	stream.indirect.gather [hbm4b:s1+s16], $0x80, s9, s16, $0xb8;
	[tilespmem:$0x1D000] =	vst v63  }
0x127: {  	_ = 	snop  }
0x128: {  	[spmem:s3] =	stream.indirect.scatter.add.f32 [tilespmem:s18], [sflag:$0x3], $0x80, s20, s16, $0xb8;
	[tilespmem:$0x1D000] =	vst v63  }
0x129: {  	_ =	swait.ge [sflag:s13], $0x4000  }
0x12a: {  	[sflag:s13] =	ssyncset.done $0x0  }
0x12b: {  	[sflag:s13] =	ssyncadd.s32 $0xFFFFC000  }
0x12c: {  	_ =	swait.ge [sflag:s17], $0x4000  }
0x12d: {  	[sflag:s17] =	ssyncset.done $0x0  }
0x12e: {  	[sflag:s17] =	ssyncadd.s32 $0xFFFFC000  }
0x12f: {  	[tilespmem:s18], [sflag:$0x2] =	stream.indirect.gather [hbm4b:s1+s16], $0x80, s21, s16, $0xb8;
	[tilespmem:$0x1D000] =	vst v63  }
0x130: {  	_ = 	snop  }
0x131: {  	[spmem:s3] =	stream.indirect.scatter.add.f32 [tilespmem:s12], [sflag:$0x3], $0x80, s22, s16, $0xb8;
	[tilespmem:$0x1D000] =	vst v63  }
0x132: {  	_ =	swait.ge [sflag:s13], $0x4000  }
0x133: {  	[sflag:s13] =	ssyncset.done $0x0  }
0x134: {  	[sflag:s13] =	ssyncadd.s32 $0xFFFFC000  }
0x135: {  	_ =	swait.ge [sflag:s19], $0x4000  }
0x136: {  	[sflag:s19] =	ssyncset.done $0x0  }
0x137: {  	[sflag:s19] =	ssyncadd.s32 $0xFFFFC000  }
0x138: {  	[tilespmem:s12], [sflag:$0x1] =	stream.indirect.gather [hbm4b:s1+s16], $0x80, s23, s16, $0xb8;
	[tilespmem:$0x1D000] =	vst v63  }
0x139: {  	_ = 	snop  }
0x13a: {  	[spmem:s3] =	stream.indirect.scatter.add.f32 [tilespmem:s18], [sflag:$0x3], $0x80, s24, s16, $0xb8;
	[tilespmem:$0x1D000] =	vst v63  }
0x13b: {  	_ =	swait.ge [sflag:s13], $0x4000  }
0x13c: {  	[sflag:s13] =	ssyncset.done $0x0  }
0x13d: {  	[sflag:s13] =	ssyncadd.s32 $0xFFFFC000  }
0x13e: {  	_ =	swait.ge [sflag:s17], $0x4000  }
0x13f: {  	[sflag:s17] =	ssyncset.done $0x0  }
0x140: {  	[sflag:s17] =	ssyncadd.s32 $0xFFFFC000  }
0x141: {  	[tilespmem:s18], [sflag:$0x2] =	stream.indirect.gather [hbm4b:s1+s16], $0x80, s25, s16, $0xb8;
	[tilespmem:$0x1D000] =	vst v63  }
0x142: {  	_ = 	snop  }
0x143: {  	[spmem:s3] =	stream.indirect.scatter.add.f32 [tilespmem:s12], [sflag:$0x3], $0x80, s26, s16, $0xb8;
	[tilespmem:$0x1D000] =	vst v63  }
0x144: {  	_ =	swait.ge [sflag:s13], $0x4000  }
0x145: {  	[sflag:s13] =	ssyncset.done $0x0  }
0x146: {  	[sflag:s13] =	ssyncadd.s32 $0xFFFFC000  }
0x147: {  	_ =	swait.ge [sflag:s19], $0x4000  }
0x148: {  	[sflag:s19] =	ssyncset.done $0x0  }
0x149: {  	[sflag:s19] =	ssyncadd.s32 $0xFFFFC000  }
0x14a: {  	[tilespmem:s12], [sflag:$0x1] =	stream.indirect.gather [hbm4b:s1+s16], $0x80, s28, s16, $0xb8;
	[tilespmem:$0x1D000] =	vst v63  }
0x14b: {  	_ = 	snop  }
0x14c: {  	[spmem:s3] =	stream.indirect.scatter.add.f32 [tilespmem:s18], [sflag:$0x3], $0x80, s29, s16, $0xb8;
	[tilespmem:$0x1D000] =	vst v63  }
0x14d: {  	_ =	swait.ge [sflag:s13], $0x4000  }
0x14e: {  	[sflag:s13] =	ssyncset.done $0x0  }
0x14f: {  	[sflag:s13] =	ssyncadd.s32 $0xFFFFC000  }
0x150: {  	_ =	swait.ge [sflag:s17], $0x4000  }
0x151: {  	[sflag:s17] =	ssyncset.done $0x0  }
0x152: {  	[sflag:s17] =	ssyncadd.s32 $0xFFFFC000  }
0x153: {  	[tilespmem:s18], [sflag:$0x2] =	stream.indirect.gather [hbm4b:s1+s16], $0x80, s30, s16, $0xb8;
	[tilespmem:$0x1D000] =	vst v63  }
0x154: {  	_ = 	snop  }
0x155: {  	[spmem:s3] =	stream.indirect.scatter.add.f32 [tilespmem:s12], [sflag:$0x3], $0x80, s31, s16, $0xb8;
	[tilespmem:$0x1D000] =	vst v63  }
0x156: {  	_ =	swait.ge [sflag:s13], $0x4000  }
0x157: {  	[sflag:s13] =	ssyncset.done $0x0  }
0x158: {  	[sflag:s13] =	ssyncadd.s32 $0xFFFFC000  }
0x159: {  	_ =	swait.ge [sflag:s19], $0x4000  }
0x15a: {  	[sflag:s19] =	ssyncset.done $0x0  }
0x15b: {  	[sflag:s19] =	ssyncadd.s32 $0xFFFFC000  }
0x15c: {  	[tilespmem:s12], [sflag:$0x1] =	stream.indirect.gather [hbm4b:s1+s16], $0x80, s2, s16, $0xb8;
	[tilespmem:$0x1D000] =	vst v63  }
0x15d: {  	_ = 	snop  }
0x15e: {  	[spmem:s3] =	stream.indirect.scatter.add.f32 [tilespmem:s18], [sflag:$0x3], $0x80, s0, s16, $0xb8;
	[tilespmem:$0x1D000] =	vst v63  }
0x15f: {  	_ =	swait.ge [sflag:s13], $0x4000  }
0x160: {  	[sflag:s13] =	ssyncset.done $0x0  }
0x161: {  	[sflag:s13] =	ssyncadd.s32 $0xFFFFC000  }
0x162: {  	_ =	swait.ge [sflag:s17], $0x4000  }
0x163: {  	[sflag:s17] =	ssyncset.done $0x0  }
0x164: {  	[sflag:s17] =	ssyncadd.s32 $0xFFFFC000  }
0x165: {  	[tilespmem:s18], [sflag:$0x2] =	stream.indirect.gather [hbm4b:s1+s16], $0x80, s6, s16, $0xb8;
	[tilespmem:$0x1D000] =	vst v63  }
0x166: {  	_ = 	snop  }
0x167: {  	[spmem:s3] =	stream.indirect.scatter.add.f32 [tilespmem:s12], [sflag:$0x3], $0x80, s7, s16, $0xb8;
	[tilespmem:$0x1D000] =	vst v63  }
0x168: {  	_ =	swait.ge [sflag:s13], $0x4000  }
0x169: {  	[sflag:s13] =	ssyncset.done $0x0  }
0x16a: {  	[sflag:s13] =	ssyncadd.s32 $0xFFFFC000  }
0x16b: {  	p0 =	sne.s32 s11, $0x400;
	_ =	swait.ge [sflag:s19], $0x4000  }
.Ltmp1:
0x16c: {  	[sflag:s19] =	ssyncset.done $0x0;
	(pc) =	sbr.rel @p0 .LBB2_4-.Ltmp1, $4  }
0x16d: {  	[sflag:s19] =	ssyncadd.s32 $0xFFFFC000  }
0x16e: {  	[spmem:s3] =	stream.indirect.scatter.add.f32 [tilespmem:s18], [sflag:$0x3], $0x80, s8, s16, $0xb8;
	[tilespmem:$0x1D000] =	vst v63  }
0x16f: {  	_ =	swait.ge [sflag:s13], $0x4000  }
0x170: {  	s11 =	sadd.s32 $0x100, s11;
	s5 =	rddreg [dreg:$0x5];
	[sflag:s13] =	ssyncset.done $0x0  }
0x171: {  	[sflag:s13] =	ssyncadd.s32 $0xFFFFC000;
	s5 =	sadd.s32 s10, s5  }
0x172: {  	[tilespmem:s14], [sflag:$0x3] =	stream.linear.gather [hbm4b:s5+s4], $0x800, $0x38;
	[tilespmem:$0x1D000] =	vst v63  }
0x173: {  	_ =	swait.ge [sflag:s13], $0x800  }
0x174: {  	s9 =	rddreg [dreg:$0x4];
	[sflag:s13] =	ssyncset.done $0x0  }
0x175: {  	[sflag:s13] =	ssyncadd.s32 $0xFFFFF800;
	s5 =	sadd.s32 s10, s9  }
0x176: {  	[tilespmem:s15], [sflag:$0x3] =	stream.linear.gather [hbm4b:s5+s4], $0x800, $0x38;
	[tilespmem:$0x1D000] =	vst v63  }
0x177: {  	_ =	swait.ge [sflag:s13], $0x800  }
0x178: {  	[sflag:s13] =	ssyncset.done $0x0  }
0x179: {  	[sflag:s13] =	ssyncadd.s32 $0xFFFFF800  }
0x17a: {  	[tilespmem:s12], [sflag:$0x1] =	stream.indirect.gather [hbm4b:s1+s16], $0x80, s14, s16, $0xb8;
	[tilespmem:$0x1D000] =	vst v63  }
0x17b: {  	_ =	swait.ge [sflag:s17], $0x4000  }
0x17c: {  	[sflag:s17] =	ssyncset.done $0x0  }
0x17d: {  	s10 =	rddreg [dreg:$0x6];
	[sflag:s17] =	ssyncadd.s32 $0xFFFFC000  }
0x17e: {  	[tilespmem:s18], [sflag:$0x2] =	stream.indirect.gather [hbm4b:s1+s16], $0x80, s10, s16, $0xb8;
	[tilespmem:$0x1D000] =	vst v63  }
0x17f: {  	_ = 	snop  }
0x180: {  	[spmem:s3] =	stream.indirect.scatter.add.f32 [tilespmem:s12], [sflag:$0x3], $0x80, s15, s16, $0xb8;
	[tilespmem:$0x1D000] =	vst v63  }
0x181: {  	_ =	swait.ge [sflag:s13], $0x4000  }
0x182: {  	[sflag:s13] =	ssyncset.done $0x0  }
0x183: {  	[sflag:s13] =	ssyncadd.s32 $0xFFFFC000  }
0x184: {  	_ =	swait.ge [sflag:s19], $0x4000  }
0x185: {  	[sflag:s19] =	ssyncset.done $0x0  }
0x186: {  	s11 =	rddreg [dreg:$0x7];
	[sflag:s19] =	ssyncadd.s32 $0xFFFFC000  }
0x187: {  	[tilespmem:s12], [sflag:$0x1] =	stream.indirect.gather [hbm4b:s1+s16], $0x80, s11, s16, $0xb8;
	[tilespmem:$0x1D000] =	vst v63  }
0x188: {  	s9 =	rddreg [dreg:$0x8]  }
0x189: {  	[spmem:s3] =	stream.indirect.scatter.add.f32 [tilespmem:s18], [sflag:$0x3], $0x80, s9, s16, $0xb8;
	[tilespmem:$0x1D000] =	vst v63  }
0x18a: {  	_ =	swait.ge [sflag:s13], $0x4000  }
0x18b: {  	[sflag:s13] =	ssyncset.done $0x0  }
0x18c: {  	[sflag:s13] =	ssyncadd.s32 $0xFFFFC000  }
0x18d: {  	_ =	swait.ge [sflag:s17], $0x4000  }
0x18e: {  	[sflag:s17] =	ssyncset.done $0x0  }
0x18f: {  	s10 =	rddreg [dreg:$0x9];
	[sflag:s17] =	ssyncadd.s32 $0xFFFFC000  }
0x190: {  	[tilespmem:s18], [sflag:$0x2] =	stream.indirect.gather [hbm4b:s1+s16], $0x80, s10, s16, $0xb8;
	[tilespmem:$0x1D000] =	vst v63  }
0x191: {  	s11 =	rddreg [dreg:$0xa]  }
0x192: {  	[spmem:s3] =	stream.indirect.scatter.add.f32 [tilespmem:s12], [sflag:$0x3], $0x80, s11, s16, $0xb8;
	[tilespmem:$0x1D000] =	vst v63  }
0x193: {  	_ =	swait.ge [sflag:s13], $0x4000  }
0x194: {  	[sflag:s13] =	ssyncset.done $0x0  }
0x195: {  	[sflag:s13] =	ssyncadd.s32 $0xFFFFC000  }
0x196: {  	_ =	swait.ge [sflag:s19], $0x4000  }
0x197: {  	[sflag:s19] =	ssyncset.done $0x0  }
0x198: {  	s10 =	rddreg [dreg:$0xb];
	[sflag:s19] =	ssyncadd.s32 $0xFFFFC000  }
0x199: {  	[tilespmem:s12], [sflag:$0x1] =	stream.indirect.gather [hbm4b:s1+s16], $0x80, s10, s16, $0xb8;
	[tilespmem:$0x1D000] =	vst v63  }
0x19a: {  	s11 =	rddreg [dreg:$0xc]  }
0x19b: {  	[spmem:s3] =	stream.indirect.scatter.add.f32 [tilespmem:s18], [sflag:$0x3], $0x80, s11, s16, $0xb8;
	[tilespmem:$0x1D000] =	vst v63  }
0x19c: {  	_ =	swait.ge [sflag:s13], $0x4000  }
0x19d: {  	[sflag:s13] =	ssyncset.done $0x0  }
0x19e: {  	[sflag:s13] =	ssyncadd.s32 $0xFFFFC000  }
0x19f: {  	_ =	swait.ge [sflag:s17], $0x4000  }
0x1a0: {  	[sflag:s17] =	ssyncset.done $0x0  }
0x1a1: {  	s10 =	rddreg [dreg:$0xd];
	[sflag:s17] =	ssyncadd.s32 $0xFFFFC000  }
0x1a2: {  	[tilespmem:s18], [sflag:$0x2] =	stream.indirect.gather [hbm4b:s1+s16], $0x80, s10, s16, $0xb8;
	[tilespmem:$0x1D000] =	vst v63  }
0x1a3: {  	s11 =	rddreg [dreg:$0xe]  }
0x1a4: {  	[spmem:s3] =	stream.indirect.scatter.add.f32 [tilespmem:s12], [sflag:$0x3], $0x80, s11, s16, $0xb8;
	[tilespmem:$0x1D000] =	vst v63  }
0x1a5: {  	_ =	swait.ge [sflag:s13], $0x4000  }
0x1a6: {  	[sflag:s13] =	ssyncset.done $0x0  }
0x1a7: {  	[sflag:s13] =	ssyncadd.s32 $0xFFFFC000  }
0x1a8: {  	_ =	swait.ge [sflag:s19], $0x4000  }
0x1a9: {  	[sflag:s19] =	ssyncset.done $0x0  }
0x1aa: {  	s10 =	rddreg [dreg:$0xf];
	[sflag:s19] =	ssyncadd.s32 $0xFFFFC000  }
0x1ab: {  	[tilespmem:s12], [sflag:$0x1] =	stream.indirect.gather [hbm4b:s1+s16], $0x80, s10, s16, $0xb8;
	[tilespmem:$0x1D000] =	vst v63  }
0x1ac: {  	s11 =	rddreg [dreg:$0x10]  }
0x1ad: {  	[spmem:s3] =	stream.indirect.scatter.add.f32 [tilespmem:s18], [sflag:$0x3], $0x80, s11, s16, $0xb8;
	[tilespmem:$0x1D000] =	vst v63  }
0x1ae: {  	_ =	swait.ge [sflag:s13], $0x4000  }
0x1af: {  	[sflag:s13] =	ssyncset.done $0x0  }
0x1b0: {  	[sflag:s13] =	ssyncadd.s32 $0xFFFFC000  }
0x1b1: {  	_ =	swait.ge [sflag:s17], $0x4000  }
0x1b2: {  	[sflag:s17] =	ssyncset.done $0x0  }
0x1b3: {  	s9 =	rddreg [dreg:$0x11];
	[sflag:s17] =	ssyncadd.s32 $0xFFFFC000  }
0x1b4: {  	[tilespmem:s18], [sflag:$0x2] =	stream.indirect.gather [hbm4b:s1+s16], $0x80, s9, s16, $0xb8;
	[tilespmem:$0x1D000] =	vst v63  }
0x1b5: {  	s10 =	rddreg [dreg:$0x12]  }
0x1b6: {  	[spmem:s3] =	stream.indirect.scatter.add.f32 [tilespmem:s12], [sflag:$0x3], $0x80, s10, s16, $0xb8;
	[tilespmem:$0x1D000] =	vst v63  }
0x1b7: {  	_ =	swait.ge [sflag:s13], $0x4000  }
0x1b8: {  	[sflag:s13] =	ssyncset.done $0x0  }
0x1b9: {  	[sflag:s13] =	ssyncadd.s32 $0xFFFFC000  }
0x1ba: {  	_ =	swait.ge [sflag:s19], $0x4000  }
0x1bb: {  	[sflag:s19] =	ssyncset.done $0x0  }
0x1bc: {  	s11 =	rddreg [dreg:$0x13];
	[sflag:s19] =	ssyncadd.s32 $0xFFFFC000  }
0x1bd: {  	[tilespmem:s12], [sflag:$0x1] =	stream.indirect.gather [hbm4b:s1+s16], $0x80, s11, s16, $0xb8;
	[tilespmem:$0x1D000] =	vst v63  }
0x1be: {  	_ = 	snop  }
0x1bf: {  	[spmem:s3] =	stream.indirect.scatter.add.f32 [tilespmem:s18], [sflag:$0x3], $0x80, s20, s16, $0xb8;
	[tilespmem:$0x1D000] =	vst v63  }
0x1c0: {  	_ =	swait.ge [sflag:s13], $0x4000  }
0x1c1: {  	[sflag:s13] =	ssyncset.done $0x0  }
0x1c2: {  	[sflag:s13] =	ssyncadd.s32 $0xFFFFC000  }
0x1c3: {  	_ =	swait.ge [sflag:s17], $0x4000  }
0x1c4: {  	[sflag:s17] =	ssyncset.done $0x0  }
0x1c5: {  	[sflag:s17] =	ssyncadd.s32 $0xFFFFC000  }
0x1c6: {  	[tilespmem:s18], [sflag:$0x2] =	stream.indirect.gather [hbm4b:s1+s16], $0x80, s21, s16, $0xb8;
	[tilespmem:$0x1D000] =	vst v63  }
0x1c7: {  	_ = 	snop  }
0x1c8: {  	[spmem:s3] =	stream.indirect.scatter.add.f32 [tilespmem:s12], [sflag:$0x3], $0x80, s22, s16, $0xb8;
	[tilespmem:$0x1D000] =	vst v63  }
0x1c9: {  	_ =	swait.ge [sflag:s13], $0x4000  }
0x1ca: {  	[sflag:s13] =	ssyncset.done $0x0  }
0x1cb: {  	[sflag:s13] =	ssyncadd.s32 $0xFFFFC000  }
0x1cc: {  	_ =	swait.ge [sflag:s19], $0x4000  }
0x1cd: {  	[sflag:s19] =	ssyncset.done $0x0  }
0x1ce: {  	[sflag:s19] =	ssyncadd.s32 $0xFFFFC000  }
0x1cf: {  	[tilespmem:s12], [sflag:$0x1] =	stream.indirect.gather [hbm4b:s1+s16], $0x80, s23, s16, $0xb8;
	[tilespmem:$0x1D000] =	vst v63  }
0x1d0: {  	_ = 	snop  }
0x1d1: {  	[spmem:s3] =	stream.indirect.scatter.add.f32 [tilespmem:s18], [sflag:$0x3], $0x80, s24, s16, $0xb8;
	[tilespmem:$0x1D000] =	vst v63  }
0x1d2: {  	_ =	swait.ge [sflag:s13], $0x4000  }
0x1d3: {  	[sflag:s13] =	ssyncset.done $0x0  }
0x1d4: {  	[sflag:s13] =	ssyncadd.s32 $0xFFFFC000  }
0x1d5: {  	_ =	swait.ge [sflag:s17], $0x4000  }
0x1d6: {  	[sflag:s17] =	ssyncset.done $0x0  }
0x1d7: {  	[sflag:s17] =	ssyncadd.s32 $0xFFFFC000  }
0x1d8: {  	[tilespmem:s18], [sflag:$0x2] =	stream.indirect.gather [hbm4b:s1+s16], $0x80, s25, s16, $0xb8;
	[tilespmem:$0x1D000] =	vst v63  }
0x1d9: {  	_ = 	snop  }
0x1da: {  	[spmem:s3] =	stream.indirect.scatter.add.f32 [tilespmem:s12], [sflag:$0x3], $0x80, s26, s16, $0xb8;
	[tilespmem:$0x1D000] =	vst v63  }
0x1db: {  	_ =	swait.ge [sflag:s13], $0x4000  }
0x1dc: {  	[sflag:s13] =	ssyncset.done $0x0  }
0x1dd: {  	[sflag:s13] =	ssyncadd.s32 $0xFFFFC000  }
0x1de: {  	_ =	swait.ge [sflag:s19], $0x4000  }
0x1df: {  	[sflag:s19] =	ssyncset.done $0x0  }
0x1e0: {  	[sflag:s19] =	ssyncadd.s32 $0xFFFFC000  }
0x1e1: {  	[tilespmem:s12], [sflag:$0x1] =	stream.indirect.gather [hbm4b:s1+s16], $0x80, s28, s16, $0xb8;
	[tilespmem:$0x1D000] =	vst v63  }
0x1e2: {  	_ = 	snop  }
0x1e3: {  	[spmem:s3] =	stream.indirect.scatter.add.f32 [tilespmem:s18], [sflag:$0x3], $0x80, s29, s16, $0xb8;
	[tilespmem:$0x1D000] =	vst v63  }
0x1e4: {  	_ =	swait.ge [sflag:s13], $0x4000  }
0x1e5: {  	[sflag:s13] =	ssyncset.done $0x0  }
0x1e6: {  	[sflag:s13] =	ssyncadd.s32 $0xFFFFC000  }
0x1e7: {  	_ =	swait.ge [sflag:s17], $0x4000  }
0x1e8: {  	[sflag:s17] =	ssyncset.done $0x0  }
0x1e9: {  	[sflag:s17] =	ssyncadd.s32 $0xFFFFC000  }
0x1ea: {  	[tilespmem:s18], [sflag:$0x2] =	stream.indirect.gather [hbm4b:s1+s16], $0x80, s30, s16, $0xb8;
	[tilespmem:$0x1D000] =	vst v63  }
0x1eb: {  	_ = 	snop  }
0x1ec: {  	[spmem:s3] =	stream.indirect.scatter.add.f32 [tilespmem:s12], [sflag:$0x3], $0x80, s31, s16, $0xb8;
	[tilespmem:$0x1D000] =	vst v63  }
0x1ed: {  	_ =	swait.ge [sflag:s13], $0x4000  }
0x1ee: {  	[sflag:s13] =	ssyncset.done $0x0  }
0x1ef: {  	[sflag:s13] =	ssyncadd.s32 $0xFFFFC000  }
0x1f0: {  	_ =	swait.ge [sflag:s19], $0x4000  }
0x1f1: {  	[sflag:s19] =	ssyncset.done $0x0  }
0x1f2: {  	[sflag:s19] =	ssyncadd.s32 $0xFFFFC000  }
0x1f3: {  	[tilespmem:s12], [sflag:$0x1] =	stream.indirect.gather [hbm4b:s1+s16], $0x80, s2, s16, $0xb8;
	[tilespmem:$0x1D000] =	vst v63  }
0x1f4: {  	_ = 	snop  }
0x1f5: {  	[spmem:s3] =	stream.indirect.scatter.add.f32 [tilespmem:s18], [sflag:$0x3], $0x80, s0, s16, $0xb8;
	[tilespmem:$0x1D000] =	vst v63  }
0x1f6: {  	_ =	swait.ge [sflag:s13], $0x4000  }
0x1f7: {  	[sflag:s13] =	ssyncset.done $0x0  }
0x1f8: {  	[sflag:s13] =	ssyncadd.s32 $0xFFFFC000  }
0x1f9: {  	_ =	swait.ge [sflag:s17], $0x4000  }
0x1fa: {  	[sflag:s17] =	ssyncset.done $0x0  }
0x1fb: {  	[sflag:s17] =	ssyncadd.s32 $0xFFFFC000  }
0x1fc: {  	[tilespmem:s18], [sflag:$0x2] =	stream.indirect.gather [hbm4b:s1+s16], $0x80, s6, s16, $0xb8;
	[tilespmem:$0x1D000] =	vst v63  }
0x1fd: {  	_ = 	snop  }
0x1fe: {  	[spmem:s3] =	stream.indirect.scatter.add.f32 [tilespmem:s12], [sflag:$0x3], $0x80, s7, s16, $0xb8;
	[tilespmem:$0x1D000] =	vst v63  }
0x1ff: {  	_ =	swait.ge [sflag:s13], $0x4000  }
0x200: {  	[sflag:s13] =	ssyncset.done $0x0  }
0x201: {  	[sflag:s13] =	ssyncadd.s32 $0xFFFFC000  }
0x202: {  	_ =	swait.ge [sflag:s19], $0x4000  }
0x203: {  	[sflag:s19] =	ssyncset.done $0x0  }
0x204: {  	[sflag:s19] =	ssyncadd.s32 $0xFFFFC000  }
0x205: {  	[spmem:s3] =	stream.indirect.scatter.add.f32 [tilespmem:s18], [sflag:$0x3], $0x80, s8, s16, $0xb8;
	[tilespmem:$0x1D000] =	vst v63  }
0x206: {  	_ =	swait.ge [sflag:s13], $0x4000  }
0x207: {  	[sflag:s13] =	ssyncset.done $0x0  }
0x208: {  	[sflag:s13] =	ssyncadd.s32 $0xFFFFC000  }
0x209: {  	s9 =	stileid.u32;
	[bflag:$0x0] =	sbarrier.arrive $0xFFFF  }
0x20a: {  	s5 =	sshll.u32 s9, $0x6;
	s10 =	rddreg [dreg:$0x14]  }
0x20b: {  	s5 =	sor.u32 $0x1C03, s5;
	s11 =	rddreg [dreg:$0x15];
	s9 =	sshrl.u32 s10, $0x3  }
0x20c: {  	[hbm:s11], [sflag:s5] =	dma.local [spmem:s9], $0x2800  }
0x20d: {  	_ =	swait.ge [sflag:s13], $0x2800  }
0x20e: {  	s10 =	rddreg [dreg:$0x1b]  }
0x20f: {  	s11 =	rddreg [dreg:$0x16];
	s9 =	sadd.s32 $0x1, s10  }
0x210: {  	p0 =	sne.s32 s9, s11  }
.Ltmp2:
0x211: {  	_ = 	snop;
	(pc) =	sbr.rel @p0 .LBB2_1-.Ltmp2, $3  }
0x212: {  	_ =	sdelay $0x1  }
0x213: {  	[sflag:s13] =	ssyncset.done $0x0  }
0x214: {  	[sflag:s13] =	ssyncadd.s32 $0xFFFFD800  }
0x215: {  	_ =	sfence.sel $0x180000  }
0x216: {  	[bflag:$0x0] =	sbarrier.arrive $0xFFFF  }
0x217: {  	_ =	strace $0x9000004A  }
0x218: {  	s0 =	stileid.u32;
	[bflag:$0x2] =	sbarrier.arrive $0xFFFF  }
0x219: {  	p0 =	sne.s32 s0, $0x0;
	s0 =	rddreg [dreg:$0x3]  }
0x21a: {  	s0 =	sadd.s32 @!p0 $0x100000, s0  }
0x21b: {  	[sflag:s0] =	ssyncadd.tile.s32 @!p0 $0x1;
	_ =	shalt  }
.Lfunc_end2:
_tile_overlayer_lowered:
.L_overlay_start_2:
0x21c: {  	(tag) =	ssettag $0x2  }
0x21d: {  	s0 =	rddreg [dreg:$0x0];
	s2 =	stileid.u32  }
0x21e: {  	s1 =	rddreg [dreg:$0x1];
	p0 =	sne.s32 s2, $0x0  }
0x21f: {  	s3 =	rddreg [dreg:$0x2];
	[bflag:$0x3] =	sbarrier.arrive $0xFFFF;
	s2 =	simm.s32 @!p0 $0x1C03  }
0x220: {  	[timem:s3], [sflag:s2] =	dma.local @!p0 [hbm:s0], s1  }
0x221: {  	s0 =	simm.s32 @!p0 $0x3  }
0x222: {  	_ =	swait.ge @!p0 [sflag:s0], s1  }
0x223: {  	s1 =	ssub.s32 @!p0 $0x0, s1;
	[sflag:s0] =	ssyncset.done @!p0 $0x0  }
0x224: {  	[sflag:s0] =	ssyncadd.s32 @!p0 s1  }
0x225: {  	[bflag:$0x3] =	sbarrier.arrive $0xFFFF  }
0x226: {  	_ =	shalt  }

// kernel: sc_degree.3.cloned.1.call-start
scs
__scs_entry_jumppad:
0x0: {  	(pc) =	sbr.rel $0x88, $3  }
0x1: {  	(tag) =	ssettag $0x0;
	lr =	simm.s32 $0x1  }
0x2: {  	[smem:$0x3F9D] =	sst lr;
	_ =	strace $0xD0000000  }
0x3: {  	_ = 	snop  }
0x4: {  	_ = 	snop  }
0x5: {  	_ = 	snop  }
0x6: {  	_ = 	snop  }
0x7: {  	_ = 	snop  }
__scs_overlays_trampoline_lowered:
0x8: {  	[smem:$0x3FAC] =	sst s0  }
0x9: {  	[smem:$0x3FAD] =	sst s1  }
0xa: {  	[smem:$0x3FAE] =	sst s2  }
0xb: {  	[smem:$0x3FAF] =	sst s3  }
0xc: {  	[smem:$0x3FB0] =	sst s4  }
0xd: {  	[smem:$0x3FB1] =	sst s5  }
0xe: {  	[smem:$0x3FB2] =	sst s6  }
0xf: {  	[smem:$0x3FB3] =	sst s7  }
0x10: {  	[smem:$0x3FB4] =	sst s8  }
0x11: {  	[smem:$0x3FB5] =	sst s9;
	s0 =	simm.s32 @!p0 $0x0  }
0x12: {  	s1 =	sld [smem:$0x3F9B];
	s0 =	simm.s32 @p0 $0x1  }
0x13: {  	[smem:$0x3FB6] =	sst s0;
	s0 =	simm.s32 @!p1 $0x0  }
0x14: {  	s2 =	sld [smem:$0x3F9A];
	s0 =	simm.s32 @p1 $0x1  }
0x15: {  	[smem:$0x3FB7] =	sst s0;
	s0 =	simm.s32 @!p2 $0x0  }
0x16: {  	s3 =	sld [smem:$0x3FDB];
	s0 =	simm.s32 @p2 $0x1  }
0x17: {  	s4 =	simm.s32 $0x1BF5;
	[smem:$0x3FB9] =	sst s0  }
0x18: {  	s0 =	sld [smem:$0x3F9C];
	_ =	swait.ge [sflag:s4], $0x0  }
0x19: {  	s7 =	sld [smem:$0x3F9D]  }
0x1a: {  	s8 =	sadd.s32 $0xFFFFE003, lr  }
0x1b: {  	s9 =	sadd.s32 $0xFFFFFEF7, lr;
	s5 =	simm.s32 $0xFFFFFFFF;
	p2 =	slt.u32 s8, $0xFFFFF086  }
0x1c: {  	p1 =	slt.u32 s9, $0xF7A;
	s5 =	simm.s32 @!p2 $0x0  }
0x1d: {  	s5 =	simm.s32 @p1 $0x1;
	p0 =	seq.s32 s7, s2  }
0x1e: {  	s7 =	smul.u32 @!p0 $0xF7A, s2;
	p2 =	seq.s32 @!p0 s5, $0x0  }
0x1f: {  	s9 =	smul.u32 $0xF7A, s1;
	s8 =	simm.s32 @!p0 $0x1BF5;
	p2 =	por !p2, p0  }
0x20: {  	[sflag:s8] =	ssyncset.s32 @!p0 $0xFFFFF086;
	s6 =	sadd.s32 @!p0 s3, s7;
	s7 =	simm.s32 @!p0 $0x108  }
0x21: {  	s3 =	sadd.s32 s3, s9;
	s6 =	sadd.s32 @!p0 $0x88, s6;
	s7 =	simm.s32 @p2 $0x1082  }
0x22: {  	[simem:s7], [sflag:s8] =	dma.local @!p0 [hbm:s6], $0xF7A  }
0x23: {  	s9 =	sor.u32 $0xD0000000, s2;
	s6 =	simm.s32 $0x108;
	_ =	swait.ge @!p0 [sflag:s8], $0x0  }
0x24: {  	s3 =	sadd.s32 $0x88, s3;
	s6 =	simm.s32 @!p1 $0x1082;
	[sflag:s4] =	ssyncset.s32 $0xFFFFF086  }
0x25: {  	[simem:s6], [sflag:s4] =	dma.local [hbm:s3], $0xF7A  }
0x26: {  	[smem:$0x3F9D] =	sst s1;
	(tag) =	ssettag s2;
	_ =	strace s9  }
0x27: {  	s1 =	sld [smem:$0x3FAD]  }
0x28: {  	s2 =	sld [smem:$0x3FAE]  }
0x29: {  	s4 =	sld [smem:$0x3FB0]  }
0x2a: {  	p0 =	seq.s32 s5, $0x0;
	s5 =	sld [smem:$0x3FB1]  }
0x2b: {  	s6 =	sld [smem:$0x3FB2]  }
0x2c: {  	s7 =	sld [smem:$0x3FB3]  }
0x2d: {  	s3 =	simm.s32 $0x108;
	s8 =	sld [smem:$0x3FB4]  }
0x2e: {  	s3 =	simm.s32 @!p0 $0x1082;
	s9 =	sld [smem:$0x3FB5]  }
0x2f: {  	lr =	sadd.s32 s0, s3;
	s0 =	sld [smem:$0x3FAC]  }
0x30: {  	s3 =	sld [smem:$0x3FAF]  }
0x31: {  	[smem:$0x3FB8] =	sst s10  }
0x32: {  	s10 =	sld [smem:$0x3FB6];
	_ =	sdelay $0x3  }
0x33: {  	p0 =	seq.s32 s10, $0x1;
	s10 =	sld [smem:$0x3FB8];
	_ =	sdelay $0x3  }
0x34: {  	[smem:$0x3FB8] =	sst s10  }
0x35: {  	s10 =	sld [smem:$0x3FB7];
	_ =	sdelay $0x3  }
0x36: {  	p1 =	seq.s32 s10, $0x1;
	s10 =	sld [smem:$0x3FB8];
	_ =	sdelay $0x3  }
0x37: {  	[smem:$0x3FB8] =	sst s10  }
0x38: {  	s10 =	sld [smem:$0x3FB9]  }
0x39: {  	_ = 	snop;
	(pc) =	sbr.ind lr, $3  }
0x3a: {  	_ = 	snop  }
0x3b: {  	_ = 	snop  }
0x3c: {  	p2 =	seq.s32 s10, $0x1;
	s10 =	sld [smem:$0x3FB8]  }
0x3d: {  	_ =	shalt  }
0x3e: {  	_ =	shalt  }
0x3f: {  	_ =	shalt  }
0x40: {  	_ =	shalt  }
0x41: {  	_ =	shalt  }
0x42: {  	_ =	shalt  }
0x43: {  	_ =	shalt  }
0x44: {  	_ =	shalt  }
0x45: {  	_ =	shalt  }
0x46: {  	_ =	shalt  }
0x47: {  	_ =	shalt  }
0x48: {  	_ =	shalt  }
0x49: {  	_ =	shalt  }
0x4a: {  	_ =	shalt  }
0x4b: {  	_ =	shalt  }
0x4c: {  	_ =	shalt  }
0x4d: {  	_ =	shalt  }
0x4e: {  	_ =	shalt  }
0x4f: {  	_ =	shalt  }
0x50: {  	_ =	shalt  }
0x51: {  	_ =	shalt  }
0x52: {  	_ =	shalt  }
0x53: {  	_ =	shalt  }
0x54: {  	_ =	shalt  }
0x55: {  	_ =	shalt  }
0x56: {  	_ =	shalt  }
0x57: {  	_ =	shalt  }
0x58: {  	_ =	shalt  }
0x59: {  	_ =	shalt  }
0x5a: {  	_ =	shalt  }
0x5b: {  	_ =	shalt  }
0x5c: {  	_ =	shalt  }
0x5d: {  	_ =	shalt  }
0x5e: {  	_ =	shalt  }
0x5f: {  	_ =	shalt  }
0x60: {  	_ =	shalt  }
0x61: {  	_ =	shalt  }
0x62: {  	_ =	shalt  }
0x63: {  	_ =	shalt  }
0x64: {  	_ =	shalt  }
0x65: {  	_ =	shalt  }
0x66: {  	_ =	shalt  }
0x67: {  	_ =	shalt  }
0x68: {  	_ =	shalt  }
0x69: {  	_ =	shalt  }
0x6a: {  	_ =	shalt  }
0x6b: {  	_ =	shalt  }
0x6c: {  	_ =	shalt  }
0x6d: {  	_ =	shalt  }
0x6e: {  	_ =	shalt  }
0x6f: {  	_ =	shalt  }
0x70: {  	_ =	shalt  }
0x71: {  	_ =	shalt  }
0x72: {  	_ =	shalt  }
0x73: {  	_ =	shalt  }
0x74: {  	_ =	shalt  }
0x75: {  	_ =	shalt  }
0x76: {  	_ =	shalt  }
0x77: {  	_ =	shalt  }
0x78: {  	_ =	shalt  }
0x79: {  	_ =	shalt  }
0x7a: {  	_ =	shalt  }
0x7b: {  	_ =	shalt  }
0x7c: {  	_ =	shalt  }
0x7d: {  	_ =	shalt  }
0x7e: {  	_ =	shalt  }
0x7f: {  	_ =	shalt  }
0x80: {  	_ =	shalt  }
0x81: {  	_ =	shalt  }
0x82: {  	_ =	shalt  }
0x83: {  	_ =	shalt  }
0x84: {  	_ =	shalt  }
0x85: {  	_ =	shalt  }
0x86: {  	_ =	shalt  }
0x87: {  	_ =	shalt  }
.Lfunc_end0:
.L_simem_size_0:
called_computation_lowered:
.L_overlay_start_0:
0x88: {  	s2 =	sld [smem:$0x3FD9]  }
0x89: {  	s3 =	sld [smem:$0x3FFE];
	_ =	sdelay $0x1  }
0x8a: {  	s1 =	srdreg.scid  }
0x8b: {  	s0 =	sand.u32 $0x1, s1  }
0x8c: {  	s17 =	sshll.u32 s0, $0xA;
	s2 =	sadd.s32 s3, s2  }
0x8d: {  	s2 =	sadd.s32 s2, s17  }
0x8e: {  	[smem:$0x3FC4] =	sst s2  }
0x8f: {  	_ = 	snop  }
0x90: {  	s2 =	sld [smem:$0x3FD0];
	(tm) =	ssettm $0x1  }
0x91: {  	s18 =	sld [smem:$0x3FFB];
	_ =	sdelay $0x3  }
0x92: {  	_ =	strace s18  }
0x93: {  	s3 =	sld [smem:$0x3FFC];
	_ =	sdelay $0x3  }
0x94: {  	_ =	strace s3  }
0x95: {  	s3 =	sld [smem:$0x3FFD];
	_ =	sdelay $0x3  }
0x96: {  	_ =	strace s3  }
0x97: {  	_ =	strace $0x8FFFFFFF  }
0x98: {  	s19 =	sld [smem:$0x3FDB];
	_ =	sdelay $0x1  }
0x99: {  	s4 =	simm.s32 $_scs_section_size  }
0x9a: {  	s5 =	simm.s32 $_size__tile_overlayer_lowered;
	s6 =	simm.s32 $_tile_overlayer_lowered  }
0x9b: {  	s22 =	simm.s32 $0x1BFF;
	s21 =	sshll.u32 s6, $0x1;
	s3 =	sadd.s32 s4, s19  }
0x9c: {  	s7 =	simm.s32 $0x0;
	s20 =	sshll.u32 s5, $0x1;
	s5 =	sadd.s32 s21, s3  }
0x9d: {  	[timem:s7], [sflag:s22] =	dma.local [hbm:s5], s20  }
0x9e: {  	_ =	swait.ge [sflag:s22], s20  }
0x9f: {  	s4 =	ssub.s32 $0x0, s20;
	[sflag:s22] =	ssyncset.done $0x0  }
0xa0: {  	[sflag:s22] =	ssyncadd.s32 s4;
	_ =	sdelay $0x1  }
0xa1: {  	s23 =	simm.s32 $0x1B8B  }
0xa2: {  	_ =	swait.ge [sflag:s23], $0x1  }
0xa3: {  	[sflag:s23] =	ssyncset.done $0x0  }
0xa4: {  	s25 =	simm.s32 $0x1B8E;
	s24 =	sld [smem:$0x3FFE];
	[sflag:s23] =	ssyncadd.s32 $0xFFFFFFFF  }
0xa5: {  	s26 =	simm.s32 $execute0_lowered;
	[smem:$0x3FD2] =	sst s25  }
0xa6: {  	s5 =	sshll.u32 s26, $0x1;
	_ =	strace $0x80000046;
	[dreg:$0x1] =	wrdreg $0xFFFFFFFF  }
0xa7: {  	s28 =	simm.s32 $_size_execute0_lowered;
	s3 =	sadd.s32 s3, s5;
	[dreg:$0x0] =	wrdreg $0x0  }
0xa8: {  	s5 =	sshll.u32 s28, $0x1;
	[dreg:$0x2] =	wrdreg s3  }
0xa9: {  	[dreg:$0x3] =	wrdreg s5  }
0xaa: {  	[dreg:$0x4] =	wrdreg $0xC0  }
0xab: {  	_ =	task [dreg:s7], $0x5FFFF  }
0xac: {  	[dreg:$0x1] =	wrdreg $0xFFFFFFFF  }
0xad: {  	[dreg:$0x0] =	wrdreg $0x60  }
0xae: {  	[dreg:$0x2] =	wrdreg s24  }
0xaf: {  	[dreg:$0x3] =	wrdreg s2  }
0xb0: {  	[dreg:$0x4] =	wrdreg $0x0  }
0xb1: {  	[dreg:$0x5] =	wrdreg $0x9  }
0xb2: {  	_ =	task.clear_ibuf [dreg:s7], $0x6FFFF;
	_ =	strace $0x90000046  }
0xb3: {  	s29 =	simm.s32 $0x9;
	_ =	strace $0x80000048  }
0xb4: {  	_ =	swait.ge [sflag:s29], $0x1  }
0xb5: {  	[sflag:s29] =	ssyncadd.s32 $0xFFFFFFFF  }
0xb6: {  	_ =	strace $0x90000048  }
0xb7: {  	_ =	sfence  }
0xb8: {  	s30 =	sld [smem:$0x0];
	_ =	sdelay $0x2  }
0xb9: {  	s31 =	sshll.u32 s1, $0xD;
	s1 =	sshrl.u32 s1, $0x2  }
0xba: {  	s3 =	sand.u32 $0x4000, s31;
	s1 =	sadd.s32 s1, s30  }
0xbb: {  	s0 =	sor.u32 s3, s0;
	s1 =	sshll.u32 s1, $0x11  }
0xbc: {  	s0 =	sor.u32 s1, s0  }
0xbd: {  	s0 =	sadd.s32 $0x8F2B, s0  }
0xbe: {  	[sflag:s0] =	ssyncadd.remote.s32 $0x1  }
0xbf: {  	_ =	sfence.sel $0xFFFF  }
0xc0: {  	[dreg:$0x0] =	wrdreg $0xFFFFFFFF;
	(pc) =	sbr.abs _section_cstart, $3  }
0xc1: {  	[dreg:$0x1] =	wrdreg $0xFFFFFFFF  }
0xc2: {  	_ =	task.clear_ibuf [dreg:s7], $0x2FFFF;
	_ =	strace $0x9FFFFFFF  }
0xc3: {  	(tm) =	ssettm $0x7FFFFFFF  }
tec
execute0_lowered:
.L_overlay_start_1:
0x0: {  	(tag) =	ssettag $0x1  }
0x1: {  	s0 =	rddreg [dreg:$0x0];
	s1 =	srdreg.scid  }
0x2: {  	s4 =	rddreg [dreg:$0x1];
	s25 =	stileid.u32;
	s2 =	simm.s32 $0x0  }
0x3: {  	s8 =	simm.s32 $0x2;
	s9 =	simm.s32 $0x280;
	s10 =	simm.s32 $0x80  }
0x4: {  	s11 =	simm.s32 $0xA80;
	s12 =	simm.s32 $0x300;
	s13 =	simm.s32 $0x380  }
0x5: {  	s14 =	simm.s32 $0x400;
	s15 =	simm.s32 $0x480;
	s16 =	simm.s32 $0x500  }
0x6: {  	s17 =	simm.s32 $0x580;
	s18 =	simm.s32 $0x600;
	s19 =	simm.s32 $0x680  }
0x7: {  	s20 =	simm.s32 $0x700;
	s21 =	simm.s32 $0x780;
	s22 =	simm.s32 $0x800  }
0x8: {  	s23 =	simm.s32 $0x880;
	s28 =	simm.s32 $0x1;
	s29 =	simm.s32 $0x0  }
0x9: {  	s3 =	sand.u32 $0x1, s1;
	s1 =	rddreg [dreg:$0x2];
	s6 =	smul.u32 $0x2800, s25  }
0xa: {  	[smem:$0x7FF] =	sst s2;
	s7 =	smul.u32 $0xA00, s25;
	p0 =	sne.s32 s25, $0x0  }
0xb: {  	s25 =	simm.s32 $0x980;
	s5 =	smul.u32 $0x28000, s3;
	s24 =	ssub.s32 $0x2, s3  }
0xc: {  	_ =	strace $0x80000047;
	s30 =	sshll.u32 s3, $0x4;
	s31 =	sshrl.u32 s7, $0x2  }
0xd: {  	s26 =	sshrl.u32 s24, $0x1;
	s5 =	sadd.s32 s6, s5;
	s3 =	sadd.s32 s31, s1  }
0xe: {  	s4 =	sadd.s32 s4, s30;
	s5 =	sshrl.u32 s5, $0x3;
	[dreg:$0x4] =	wrdreg s3  }
0xf: {  	s0 =	sadd.s32 s5, s0;
	s5 =	ssub.s32 s24, s26;
	s24 =	simm.s32 $0x900  }
0x10: {  	v0 =	vimm.f32 $0.0e+00;
	v1 =	vimm.f32 $1.000000000e+00;
	s26 =	simm.s32 $0xA00;
	s5 =	smax.u32 s5, $0x1;
	s6 =	sadd.s32 $0x1600, s0  }
.LBB2_1:
0x11: {  	[tilespmem:$0xB00] =	vst v0  }
0x12: {  	[tilespmem:$0xB10] =	vst v0  }
0x13: {  	[tilespmem:$0xB20] =	vst v0  }
0x14: {  	[tilespmem:$0xB30] =	vst v0  }
0x15: {  	[tilespmem:$0xB40] =	vst v0  }
0x16: {  	[tilespmem:$0xB50] =	vst v0  }
0x17: {  	[tilespmem:$0xB60] =	vst v0  }
0x18: {  	[tilespmem:$0xB70] =	vst v0  }
0x19: {  	[tilespmem:$0xB80] =	vst v0  }
0x1a: {  	[tilespmem:$0xB90] =	vst v0  }
0x1b: {  	[tilespmem:$0xBA0] =	vst v0  }
0x1c: {  	[tilespmem:$0xBB0] =	vst v0  }
0x1d: {  	[tilespmem:$0xBC0] =	vst v0  }
0x1e: {  	[tilespmem:$0xBD0] =	vst v0  }
0x1f: {  	[tilespmem:$0xBE0] =	vst v0  }
0x20: {  	[tilespmem:$0xBF0] =	vst v0  }
0x21: {  	[tilespmem:$0xC00] =	vst v0  }
0x22: {  	[tilespmem:$0xC10] =	vst v0  }
0x23: {  	[tilespmem:$0xC20] =	vst v0  }
0x24: {  	[tilespmem:$0xC30] =	vst v0  }
0x25: {  	[tilespmem:$0xC40] =	vst v0  }
0x26: {  	[tilespmem:$0xC50] =	vst v0  }
0x27: {  	[tilespmem:$0xC60] =	vst v0  }
0x28: {  	[tilespmem:$0xC70] =	vst v0  }
0x29: {  	[tilespmem:$0xC80] =	vst v0  }
0x2a: {  	[tilespmem:$0xC90] =	vst v0  }
0x2b: {  	[tilespmem:$0xCA0] =	vst v0  }
0x2c: {  	[tilespmem:$0xCB0] =	vst v0  }
0x2d: {  	[tilespmem:$0xCC0] =	vst v0  }
0x2e: {  	[tilespmem:$0xCD0] =	vst v0  }
0x2f: {  	[tilespmem:$0xCE0] =	vst v0  }
0x30: {  	[tilespmem:$0xCF0] =	vst v0  }
0x31: {  	[tilespmem:$0xD00] =	vst v0  }
0x32: {  	[tilespmem:$0xD10] =	vst v0  }
0x33: {  	[tilespmem:$0xD20] =	vst v0  }
0x34: {  	[tilespmem:$0xD30] =	vst v0  }
0x35: {  	[tilespmem:$0xD40] =	vst v0  }
0x36: {  	[tilespmem:$0xD50] =	vst v0  }
0x37: {  	[tilespmem:$0xD60] =	vst v0  }
0x38: {  	[tilespmem:$0xD70] =	vst v0;
	s0 =	rddreg [dreg:$0x4];
	s3 =	simm.s32 $0xB00  }
0x39: {  	[spmem:s0] =	stream.linear.scatter [tilespmem:s3], [sflag:$0x2], $0x280, $0x38;
	[tilespmem:$0xD80] =	vst v63  }
0x3a: {  	_ =	swait.ge [sflag:s8], $0x280  }
0x3b: {  	[sflag:s8] =	ssyncset.done $0x0  }
0x3c: {  	[sflag:s8] =	ssyncadd.s32 $0xFFFFFD80  }
0x3d: {  	[tilespmem:$0xA80] =	vst v1  }
0x3e: {  	[tilespmem:$0xA90] =	vst v1  }
0x3f: {  	[tilespmem:$0xAA0] =	vst v1  }
0x40: {  	[tilespmem:$0xAB0] =	vst v1  }
0x41: {  	[tilespmem:$0xAC0] =	vst v1  }
0x42: {  	[tilespmem:$0xAD0] =	vst v1  }
0x43: {  	[tilespmem:$0xAE0] =	vst v1  }
0x44: {  	[tilespmem:$0xAF0] =	vst v1  }
0x45: {  	s7 =	sadd.s32 $0x0, s6;
	[bflag:$0x0] =	sbarrier.arrive $0xFFFF  }
0x46: {  	[tilespmem:s9], [sflag:$0x2] =	stream.linear.gather [hbm4b:s7+s2], $0x800, $0x38;
	[tilespmem:$0xD80] =	vst v63  }
0x47: {  	_ =	swait.ge [sflag:s8], $0x800  }
0x48: {  	[sflag:s8] =	ssyncset.done $0x0  }
0x49: {  	[sflag:s8] =	ssyncadd.s32 $0xFFFFF800  }
0x4a: {  	[spmem:s1] =	stream.indirect.scatter.add.f32 [tilespmem:s11], [sflag:$0x1], $0x1, s9, s10, $0xb8;
	[tilespmem:$0xD80] =	vst v63  }
0x4b: {  	_ = 	snop  }
0x4c: {  	[spmem:s1] =	stream.indirect.scatter.add.f32 [tilespmem:s11], [sflag:$0x1], $0x1, s12, s10, $0xb8;
	[tilespmem:$0xD80] =	vst v63  }
0x4d: {  	_ = 	snop  }
0x4e: {  	[spmem:s1] =	stream.indirect.scatter.add.f32 [tilespmem:s11], [sflag:$0x1], $0x1, s13, s10, $0xb8;
	[tilespmem:$0xD80] =	vst v63  }
0x4f: {  	_ = 	snop  }
0x50: {  	[spmem:s1] =	stream.indirect.scatter.add.f32 [tilespmem:s11], [sflag:$0x1], $0x1, s14, s10, $0xb8;
	[tilespmem:$0xD80] =	vst v63  }
0x51: {  	_ = 	snop  }
0x52: {  	[spmem:s1] =	stream.indirect.scatter.add.f32 [tilespmem:s11], [sflag:$0x1], $0x1, s15, s10, $0xb8;
	[tilespmem:$0xD80] =	vst v63  }
0x53: {  	_ = 	snop  }
0x54: {  	[spmem:s1] =	stream.indirect.scatter.add.f32 [tilespmem:s11], [sflag:$0x1], $0x1, s16, s10, $0xb8;
	[tilespmem:$0xD80] =	vst v63  }
0x55: {  	_ = 	snop  }
0x56: {  	[spmem:s1] =	stream.indirect.scatter.add.f32 [tilespmem:s11], [sflag:$0x1], $0x1, s17, s10, $0xb8;
	[tilespmem:$0xD80] =	vst v63  }
0x57: {  	_ = 	snop  }
0x58: {  	[spmem:s1] =	stream.indirect.scatter.add.f32 [tilespmem:s11], [sflag:$0x1], $0x1, s18, s10, $0xb8;
	[tilespmem:$0xD80] =	vst v63  }
0x59: {  	_ = 	snop  }
0x5a: {  	[spmem:s1] =	stream.indirect.scatter.add.f32 [tilespmem:s11], [sflag:$0x1], $0x1, s19, s10, $0xb8;
	[tilespmem:$0xD80] =	vst v63  }
0x5b: {  	_ = 	snop  }
0x5c: {  	[spmem:s1] =	stream.indirect.scatter.add.f32 [tilespmem:s11], [sflag:$0x1], $0x1, s20, s10, $0xb8;
	[tilespmem:$0xD80] =	vst v63  }
0x5d: {  	_ = 	snop  }
0x5e: {  	[spmem:s1] =	stream.indirect.scatter.add.f32 [tilespmem:s11], [sflag:$0x1], $0x1, s21, s10, $0xb8;
	[tilespmem:$0xD80] =	vst v63  }
0x5f: {  	_ = 	snop  }
0x60: {  	[spmem:s1] =	stream.indirect.scatter.add.f32 [tilespmem:s11], [sflag:$0x1], $0x1, s22, s10, $0xb8;
	[tilespmem:$0xD80] =	vst v63  }
0x61: {  	_ = 	snop  }
0x62: {  	[spmem:s1] =	stream.indirect.scatter.add.f32 [tilespmem:s11], [sflag:$0x1], $0x1, s23, s10, $0xb8;
	[tilespmem:$0xD80] =	vst v63  }
0x63: {  	_ = 	snop  }
0x64: {  	[spmem:s1] =	stream.indirect.scatter.add.f32 [tilespmem:s11], [sflag:$0x1], $0x1, s24, s10, $0xb8;
	[tilespmem:$0xD80] =	vst v63  }
0x65: {  	_ = 	snop  }
0x66: {  	[spmem:s1] =	stream.indirect.scatter.add.f32 [tilespmem:s11], [sflag:$0x1], $0x1, s25, s10, $0xb8;
	[tilespmem:$0xD80] =	vst v63  }
0x67: {  	_ = 	snop  }
0x68: {  	[spmem:s1] =	stream.indirect.scatter.add.f32 [tilespmem:s11], [sflag:$0x1], $0x1, s26, s10, $0xb8;
	[tilespmem:$0xD80] =	vst v63  }
0x69: {  	_ =	swait.ge [sflag:s28], $0x80  }
0x6a: {  	[sflag:s28] =	ssyncset.done $0x0  }
0x6b: {  	[sflag:s28] =	ssyncadd.s32 $0xFFFFFF80  }
0x6c: {  	_ =	swait.ge [sflag:s28], $0x80  }
0x6d: {  	[sflag:s28] =	ssyncset.done $0x0  }
0x6e: {  	[sflag:s28] =	ssyncadd.s32 $0xFFFFFF80  }
0x6f: {  	_ =	swait.ge [sflag:s28], $0x80  }
0x70: {  	[sflag:s28] =	ssyncset.done $0x0  }
0x71: {  	[sflag:s28] =	ssyncadd.s32 $0xFFFFFF80  }
0x72: {  	_ =	swait.ge [sflag:s28], $0x80  }
0x73: {  	[sflag:s28] =	ssyncset.done $0x0  }
0x74: {  	[sflag:s28] =	ssyncadd.s32 $0xFFFFFF80  }
0x75: {  	_ =	swait.ge [sflag:s28], $0x80  }
0x76: {  	[sflag:s28] =	ssyncset.done $0x0  }
0x77: {  	[sflag:s28] =	ssyncadd.s32 $0xFFFFFF80  }
0x78: {  	_ =	swait.ge [sflag:s28], $0x80  }
0x79: {  	[sflag:s28] =	ssyncset.done $0x0  }
0x7a: {  	[sflag:s28] =	ssyncadd.s32 $0xFFFFFF80  }
0x7b: {  	_ =	swait.ge [sflag:s28], $0x80  }
0x7c: {  	[sflag:s28] =	ssyncset.done $0x0  }
0x7d: {  	[sflag:s28] =	ssyncadd.s32 $0xFFFFFF80  }
0x7e: {  	_ =	swait.ge [sflag:s28], $0x80  }
0x7f: {  	[sflag:s28] =	ssyncset.done $0x0  }
0x80: {  	[sflag:s28] =	ssyncadd.s32 $0xFFFFFF80  }
0x81: {  	_ =	swait.ge [sflag:s28], $0x80  }
0x82: {  	[sflag:s28] =	ssyncset.done $0x0  }
0x83: {  	[sflag:s28] =	ssyncadd.s32 $0xFFFFFF80  }
0x84: {  	_ =	swait.ge [sflag:s28], $0x80  }
0x85: {  	[sflag:s28] =	ssyncset.done $0x0  }
0x86: {  	[sflag:s28] =	ssyncadd.s32 $0xFFFFFF80  }
0x87: {  	_ =	swait.ge [sflag:s28], $0x80  }
0x88: {  	[sflag:s28] =	ssyncset.done $0x0  }
0x89: {  	[sflag:s28] =	ssyncadd.s32 $0xFFFFFF80  }
0x8a: {  	_ =	swait.ge [sflag:s28], $0x80  }
0x8b: {  	[sflag:s28] =	ssyncset.done $0x0  }
0x8c: {  	[sflag:s28] =	ssyncadd.s32 $0xFFFFFF80  }
0x8d: {  	_ =	swait.ge [sflag:s28], $0x80  }
0x8e: {  	[sflag:s28] =	ssyncset.done $0x0  }
0x8f: {  	[sflag:s28] =	ssyncadd.s32 $0xFFFFFF80  }
0x90: {  	_ =	swait.ge [sflag:s28], $0x80  }
0x91: {  	[sflag:s28] =	ssyncset.done $0x0  }
0x92: {  	[sflag:s28] =	ssyncadd.s32 $0xFFFFFF80  }
0x93: {  	_ =	swait.ge [sflag:s28], $0x80  }
0x94: {  	[sflag:s28] =	ssyncset.done $0x0  }
0x95: {  	[sflag:s28] =	ssyncadd.s32 $0xFFFFFF80  }
0x96: {  	_ =	swait.ge [sflag:s28], $0x80  }
0x97: {  	s30 =	simm.s32 $0x100;
	s31 =	simm.s32 $0x200;
	[sflag:s28] =	ssyncset.done $0x0  }
.LBB2_2:
0x98: {  	s7 =	sadd.s32 s30, s6  }
0x99: {  	[sflag:s28] =	ssyncadd.s32 $0xFFFFFF80;
	s30 =	smov.u32 s31;
	s0 =	sadd.s32 $0x100, s31  }
0x9a: {  	[tilespmem:s9], [sflag:$0x2] =	stream.linear.gather [hbm4b:s7+s2], $0x800, $0x38;
	[tilespmem:$0xD80] =	vst v63  }
0x9b: {  	p1 =	sne.s32 s31, $0x400;
	_ =	swait.ge [sflag:s8], $0x800  }
0x9c: {  	[sflag:s8] =	ssyncset.done $0x0  }
0x9d: {  	[sflag:s8] =	ssyncadd.s32 $0xFFFFF800  }
0x9e: {  	[spmem:s1] =	stream.indirect.scatter.add.f32 [tilespmem:s11], [sflag:$0x1], $0x1, s9, s10, $0xb8;
	[tilespmem:$0xD80] =	vst v63  }
0x9f: {  	_ = 	snop  }
0xa0: {  	[spmem:s1] =	stream.indirect.scatter.add.f32 [tilespmem:s11], [sflag:$0x1], $0x1, s12, s10, $0xb8;
	[tilespmem:$0xD80] =	vst v63  }
0xa1: {  	_ = 	snop  }
0xa2: {  	[spmem:s1] =	stream.indirect.scatter.add.f32 [tilespmem:s11], [sflag:$0x1], $0x1, s13, s10, $0xb8;
	[tilespmem:$0xD80] =	vst v63  }
0xa3: {  	_ = 	snop  }
0xa4: {  	[spmem:s1] =	stream.indirect.scatter.add.f32 [tilespmem:s11], [sflag:$0x1], $0x1, s14, s10, $0xb8;
	[tilespmem:$0xD80] =	vst v63  }
0xa5: {  	_ = 	snop  }
0xa6: {  	[spmem:s1] =	stream.indirect.scatter.add.f32 [tilespmem:s11], [sflag:$0x1], $0x1, s15, s10, $0xb8;
	[tilespmem:$0xD80] =	vst v63  }
0xa7: {  	_ = 	snop  }
0xa8: {  	[spmem:s1] =	stream.indirect.scatter.add.f32 [tilespmem:s11], [sflag:$0x1], $0x1, s16, s10, $0xb8;
	[tilespmem:$0xD80] =	vst v63  }
0xa9: {  	_ = 	snop  }
0xaa: {  	[spmem:s1] =	stream.indirect.scatter.add.f32 [tilespmem:s11], [sflag:$0x1], $0x1, s17, s10, $0xb8;
	[tilespmem:$0xD80] =	vst v63  }
0xab: {  	_ = 	snop  }
0xac: {  	[spmem:s1] =	stream.indirect.scatter.add.f32 [tilespmem:s11], [sflag:$0x1], $0x1, s18, s10, $0xb8;
	[tilespmem:$0xD80] =	vst v63  }
0xad: {  	_ = 	snop  }
0xae: {  	[spmem:s1] =	stream.indirect.scatter.add.f32 [tilespmem:s11], [sflag:$0x1], $0x1, s19, s10, $0xb8;
	[tilespmem:$0xD80] =	vst v63  }
0xaf: {  	_ = 	snop  }
0xb0: {  	[spmem:s1] =	stream.indirect.scatter.add.f32 [tilespmem:s11], [sflag:$0x1], $0x1, s20, s10, $0xb8;
	[tilespmem:$0xD80] =	vst v63  }
0xb1: {  	_ = 	snop  }
0xb2: {  	[spmem:s1] =	stream.indirect.scatter.add.f32 [tilespmem:s11], [sflag:$0x1], $0x1, s21, s10, $0xb8;
	[tilespmem:$0xD80] =	vst v63  }
0xb3: {  	_ = 	snop  }
0xb4: {  	[spmem:s1] =	stream.indirect.scatter.add.f32 [tilespmem:s11], [sflag:$0x1], $0x1, s22, s10, $0xb8;
	[tilespmem:$0xD80] =	vst v63  }
0xb5: {  	_ = 	snop  }
0xb6: {  	[spmem:s1] =	stream.indirect.scatter.add.f32 [tilespmem:s11], [sflag:$0x1], $0x1, s23, s10, $0xb8;
	[tilespmem:$0xD80] =	vst v63  }
0xb7: {  	_ = 	snop  }
0xb8: {  	[spmem:s1] =	stream.indirect.scatter.add.f32 [tilespmem:s11], [sflag:$0x1], $0x1, s24, s10, $0xb8;
	[tilespmem:$0xD80] =	vst v63  }
0xb9: {  	_ = 	snop  }
0xba: {  	[spmem:s1] =	stream.indirect.scatter.add.f32 [tilespmem:s11], [sflag:$0x1], $0x1, s25, s10, $0xb8;
	[tilespmem:$0xD80] =	vst v63  }
0xbb: {  	_ = 	snop  }
0xbc: {  	[spmem:s1] =	stream.indirect.scatter.add.f32 [tilespmem:s11], [sflag:$0x1], $0x1, s26, s10, $0xb8;
	[tilespmem:$0xD80] =	vst v63  }
0xbd: {  	_ =	swait.ge [sflag:s28], $0x80  }
0xbe: {  	[sflag:s28] =	ssyncset.done $0x0  }
0xbf: {  	[sflag:s28] =	ssyncadd.s32 $0xFFFFFF80  }
0xc0: {  	_ =	swait.ge [sflag:s28], $0x80  }
0xc1: {  	[sflag:s28] =	ssyncset.done $0x0  }
0xc2: {  	[sflag:s28] =	ssyncadd.s32 $0xFFFFFF80  }
0xc3: {  	_ =	swait.ge [sflag:s28], $0x80  }
0xc4: {  	[sflag:s28] =	ssyncset.done $0x0  }
0xc5: {  	[sflag:s28] =	ssyncadd.s32 $0xFFFFFF80  }
0xc6: {  	_ =	swait.ge [sflag:s28], $0x80  }
0xc7: {  	[sflag:s28] =	ssyncset.done $0x0  }
0xc8: {  	[sflag:s28] =	ssyncadd.s32 $0xFFFFFF80  }
0xc9: {  	_ =	swait.ge [sflag:s28], $0x80  }
0xca: {  	[sflag:s28] =	ssyncset.done $0x0  }
0xcb: {  	[sflag:s28] =	ssyncadd.s32 $0xFFFFFF80  }
0xcc: {  	_ =	swait.ge [sflag:s28], $0x80  }
0xcd: {  	[sflag:s28] =	ssyncset.done $0x0  }
0xce: {  	[sflag:s28] =	ssyncadd.s32 $0xFFFFFF80  }
0xcf: {  	_ =	swait.ge [sflag:s28], $0x80  }
0xd0: {  	[sflag:s28] =	ssyncset.done $0x0  }
0xd1: {  	[sflag:s28] =	ssyncadd.s32 $0xFFFFFF80  }
0xd2: {  	_ =	swait.ge [sflag:s28], $0x80  }
0xd3: {  	[sflag:s28] =	ssyncset.done $0x0  }
0xd4: {  	[sflag:s28] =	ssyncadd.s32 $0xFFFFFF80  }
0xd5: {  	_ =	swait.ge [sflag:s28], $0x80  }
0xd6: {  	[sflag:s28] =	ssyncset.done $0x0  }
0xd7: {  	[sflag:s28] =	ssyncadd.s32 $0xFFFFFF80  }
0xd8: {  	_ =	swait.ge [sflag:s28], $0x80  }
0xd9: {  	[sflag:s28] =	ssyncset.done $0x0  }
0xda: {  	[sflag:s28] =	ssyncadd.s32 $0xFFFFFF80  }
0xdb: {  	_ =	swait.ge [sflag:s28], $0x80  }
0xdc: {  	[sflag:s28] =	ssyncset.done $0x0  }
0xdd: {  	[sflag:s28] =	ssyncadd.s32 $0xFFFFFF80  }
0xde: {  	_ =	swait.ge [sflag:s28], $0x80  }
0xdf: {  	[sflag:s28] =	ssyncset.done $0x0  }
0xe0: {  	[sflag:s28] =	ssyncadd.s32 $0xFFFFFF80  }
0xe1: {  	_ =	swait.ge [sflag:s28], $0x80  }
0xe2: {  	[sflag:s28] =	ssyncset.done $0x0  }
0xe3: {  	[sflag:s28] =	ssyncadd.s32 $0xFFFFFF80  }
0xe4: {  	_ =	swait.ge [sflag:s28], $0x80  }
0xe5: {  	[sflag:s28] =	ssyncset.done $0x0  }
0xe6: {  	[sflag:s28] =	ssyncadd.s32 $0xFFFFFF80  }
.Ltmp0:
0xe7: {  	_ =	swait.ge [sflag:s28], $0x80;
	(pc) =	sbr.rel @p1 .LBB2_2-.Ltmp0, $4  }
0xe8: {  	[sflag:s28] =	ssyncset.done $0x0  }
0xe9: {  	[sflag:s28] =	ssyncadd.s32 $0xFFFFFF80  }
0xea: {  	_ =	swait.ge [sflag:s28], $0x80  }
0xeb: {  	s31 =	smov.u32 s0;
	[sflag:s28] =	ssyncset.done $0x0  }
0xec: {  	s0 =	sadd.s32 s30, s6;
	[sflag:s28] =	ssyncadd.s32 $0xFFFFFF80  }
0xed: {  	[tilespmem:s9], [sflag:$0x2] =	stream.linear.gather [hbm4b:s0+s2], $0x800, $0x38;
	[tilespmem:$0xD80] =	vst v63  }
0xee: {  	_ =	swait.ge [sflag:s8], $0x800  }
0xef: {  	[sflag:s8] =	ssyncset.done $0x0  }
0xf0: {  	[sflag:s8] =	ssyncadd.s32 $0xFFFFF800  }
0xf1: {  	[spmem:s1] =	stream.indirect.scatter.add.f32 [tilespmem:s11], [sflag:$0x1], $0x1, s9, s10, $0xb8;
	[tilespmem:$0xD80] =	vst v63  }
0xf2: {  	_ = 	snop  }
0xf3: {  	[spmem:s1] =	stream.indirect.scatter.add.f32 [tilespmem:s11], [sflag:$0x1], $0x1, s12, s10, $0xb8;
	[tilespmem:$0xD80] =	vst v63  }
0xf4: {  	_ = 	snop  }
0xf5: {  	[spmem:s1] =	stream.indirect.scatter.add.f32 [tilespmem:s11], [sflag:$0x1], $0x1, s13, s10, $0xb8;
	[tilespmem:$0xD80] =	vst v63  }
0xf6: {  	_ = 	snop  }
0xf7: {  	[spmem:s1] =	stream.indirect.scatter.add.f32 [tilespmem:s11], [sflag:$0x1], $0x1, s14, s10, $0xb8;
	[tilespmem:$0xD80] =	vst v63  }
0xf8: {  	_ = 	snop  }
0xf9: {  	[spmem:s1] =	stream.indirect.scatter.add.f32 [tilespmem:s11], [sflag:$0x1], $0x1, s15, s10, $0xb8;
	[tilespmem:$0xD80] =	vst v63  }
0xfa: {  	_ = 	snop  }
0xfb: {  	[spmem:s1] =	stream.indirect.scatter.add.f32 [tilespmem:s11], [sflag:$0x1], $0x1, s16, s10, $0xb8;
	[tilespmem:$0xD80] =	vst v63  }
0xfc: {  	_ = 	snop  }
0xfd: {  	[spmem:s1] =	stream.indirect.scatter.add.f32 [tilespmem:s11], [sflag:$0x1], $0x1, s17, s10, $0xb8;
	[tilespmem:$0xD80] =	vst v63  }
0xfe: {  	_ = 	snop  }
0xff: {  	[spmem:s1] =	stream.indirect.scatter.add.f32 [tilespmem:s11], [sflag:$0x1], $0x1, s18, s10, $0xb8;
	[tilespmem:$0xD80] =	vst v63  }
0x100: {  	_ = 	snop  }
0x101: {  	[spmem:s1] =	stream.indirect.scatter.add.f32 [tilespmem:s11], [sflag:$0x1], $0x1, s19, s10, $0xb8;
	[tilespmem:$0xD80] =	vst v63  }
0x102: {  	_ = 	snop  }
0x103: {  	[spmem:s1] =	stream.indirect.scatter.add.f32 [tilespmem:s11], [sflag:$0x1], $0x1, s20, s10, $0xb8;
	[tilespmem:$0xD80] =	vst v63  }
0x104: {  	_ = 	snop  }
0x105: {  	[spmem:s1] =	stream.indirect.scatter.add.f32 [tilespmem:s11], [sflag:$0x1], $0x1, s21, s10, $0xb8;
	[tilespmem:$0xD80] =	vst v63  }
0x106: {  	_ = 	snop  }
0x107: {  	[spmem:s1] =	stream.indirect.scatter.add.f32 [tilespmem:s11], [sflag:$0x1], $0x1, s22, s10, $0xb8;
	[tilespmem:$0xD80] =	vst v63  }
0x108: {  	_ = 	snop  }
0x109: {  	[spmem:s1] =	stream.indirect.scatter.add.f32 [tilespmem:s11], [sflag:$0x1], $0x1, s23, s10, $0xb8;
	[tilespmem:$0xD80] =	vst v63  }
0x10a: {  	_ = 	snop  }
0x10b: {  	[spmem:s1] =	stream.indirect.scatter.add.f32 [tilespmem:s11], [sflag:$0x1], $0x1, s24, s10, $0xb8;
	[tilespmem:$0xD80] =	vst v63  }
0x10c: {  	_ = 	snop  }
0x10d: {  	[spmem:s1] =	stream.indirect.scatter.add.f32 [tilespmem:s11], [sflag:$0x1], $0x1, s25, s10, $0xb8;
	[tilespmem:$0xD80] =	vst v63  }
0x10e: {  	_ = 	snop  }
0x10f: {  	[spmem:s1] =	stream.indirect.scatter.add.f32 [tilespmem:s11], [sflag:$0x1], $0x1, s26, s10, $0xb8;
	[tilespmem:$0xD80] =	vst v63  }
0x110: {  	_ =	swait.ge [sflag:s28], $0x80  }
0x111: {  	[sflag:s28] =	ssyncset.done $0x0  }
0x112: {  	[sflag:s28] =	ssyncadd.s32 $0xFFFFFF80  }
0x113: {  	_ =	swait.ge [sflag:s28], $0x80  }
0x114: {  	[sflag:s28] =	ssyncset.done $0x0  }
0x115: {  	[sflag:s28] =	ssyncadd.s32 $0xFFFFFF80  }
0x116: {  	_ =	swait.ge [sflag:s28], $0x80  }
0x117: {  	[sflag:s28] =	ssyncset.done $0x0  }
0x118: {  	[sflag:s28] =	ssyncadd.s32 $0xFFFFFF80  }
0x119: {  	_ =	swait.ge [sflag:s28], $0x80  }
0x11a: {  	[sflag:s28] =	ssyncset.done $0x0  }
0x11b: {  	[sflag:s28] =	ssyncadd.s32 $0xFFFFFF80  }
0x11c: {  	_ =	swait.ge [sflag:s28], $0x80  }
0x11d: {  	[sflag:s28] =	ssyncset.done $0x0  }
0x11e: {  	[sflag:s28] =	ssyncadd.s32 $0xFFFFFF80  }
0x11f: {  	_ =	swait.ge [sflag:s28], $0x80  }
0x120: {  	[sflag:s28] =	ssyncset.done $0x0  }
0x121: {  	[sflag:s28] =	ssyncadd.s32 $0xFFFFFF80  }
0x122: {  	_ =	swait.ge [sflag:s28], $0x80  }
0x123: {  	[sflag:s28] =	ssyncset.done $0x0  }
0x124: {  	[sflag:s28] =	ssyncadd.s32 $0xFFFFFF80  }
0x125: {  	_ =	swait.ge [sflag:s28], $0x80  }
0x126: {  	[sflag:s28] =	ssyncset.done $0x0  }
0x127: {  	[sflag:s28] =	ssyncadd.s32 $0xFFFFFF80  }
0x128: {  	_ =	swait.ge [sflag:s28], $0x80  }
0x129: {  	[sflag:s28] =	ssyncset.done $0x0  }
0x12a: {  	[sflag:s28] =	ssyncadd.s32 $0xFFFFFF80  }
0x12b: {  	_ =	swait.ge [sflag:s28], $0x80  }
0x12c: {  	[sflag:s28] =	ssyncset.done $0x0  }
0x12d: {  	[sflag:s28] =	ssyncadd.s32 $0xFFFFFF80  }
0x12e: {  	_ =	swait.ge [sflag:s28], $0x80  }
0x12f: {  	[sflag:s28] =	ssyncset.done $0x0  }
0x130: {  	[sflag:s28] =	ssyncadd.s32 $0xFFFFFF80  }
0x131: {  	_ =	swait.ge [sflag:s28], $0x80  }
0x132: {  	[sflag:s28] =	ssyncset.done $0x0  }
0x133: {  	[sflag:s28] =	ssyncadd.s32 $0xFFFFFF80  }
0x134: {  	_ =	swait.ge [sflag:s28], $0x80  }
0x135: {  	[sflag:s28] =	ssyncset.done $0x0  }
0x136: {  	[sflag:s28] =	ssyncadd.s32 $0xFFFFFF80  }
0x137: {  	_ =	swait.ge [sflag:s28], $0x80  }
0x138: {  	[sflag:s28] =	ssyncset.done $0x0  }
0x139: {  	[sflag:s28] =	ssyncadd.s32 $0xFFFFFF80  }
0x13a: {  	_ =	swait.ge [sflag:s28], $0x80  }
0x13b: {  	[sflag:s28] =	ssyncset.done $0x0  }
0x13c: {  	[sflag:s28] =	ssyncadd.s32 $0xFFFFFF80  }
0x13d: {  	s7 =	simm.s32 @!p0 $0x1;
	_ =	swait.ge [sflag:s28], $0x80  }
0x13e: {  	s30 =	simm.s32 @!p0 $0x20;
	s31 =	simm.s32 @!p0 $0x10;
	[sflag:s28] =	ssyncset.done $0x0  }
0x13f: {  	s3 =	simm.s32 @!p0 $0x1C02;
	s29 =	sadd.s32 $0x1, s29;
	[sflag:s28] =	ssyncadd.s32 $0xFFFFFF80  }
0x140: {  	s0 =	sshrl.u32 @!p0 s1, $0x3;
	p1 =	sne.s32 s29, s5;
	[bflag:$0x0] =	sbarrier.arrive $0xFFFF  }
0x141: {  	[hbm:s4@s30], [sflag:s3] =	dma.strided @!p0 [spmem:s0@s31], $0x500, s7, $0x10   }
.Ltmp1:
0x142: {  	_ = 	snop;
	(pc) =	sbr.rel @p1 .LBB2_1-.Ltmp1, $4  }
0x143: {  	s0 =	simm.s32 @!p0 $0x2  }
0x144: {  	_ =	swait.ge @!p0 [sflag:s0], $0x500  }
0x145: {  	[sflag:s0] =	ssyncset.done @!p0 $0x0  }
0x146: {  	[sflag:s0] =	ssyncadd.s32 @!p0 $0xFFFFFB00  }
0x147: {  	_ =	sfence.sel $0x180000  }
0x148: {  	[bflag:$0x0] =	sbarrier.arrive $0xFFFF  }
0x149: {  	_ =	strace $0x90000047  }
0x14a: {  	[bflag:$0x2] =	sbarrier.arrive $0xFFFF  }
0x14b: {  	s0 =	rddreg [dreg:$0x3]  }
0x14c: {  	s0 =	sadd.s32 @!p0 $0x100000, s0  }
0x14d: {  	[sflag:s0] =	ssyncadd.tile.s32 @!p0 $0x1;
	_ =	shalt  }
.Lfunc_end2:
_tile_overlayer_lowered:
.L_overlay_start_2:
0x14e: {  	(tag) =	ssettag $0x2  }
0x14f: {  	s0 =	rddreg [dreg:$0x0];
	s2 =	stileid.u32  }
0x150: {  	s1 =	rddreg [dreg:$0x1];
	p0 =	sne.s32 s2, $0x0  }
0x151: {  	s3 =	rddreg [dreg:$0x2];
	[bflag:$0x3] =	sbarrier.arrive $0xFFFF;
	s2 =	simm.s32 @!p0 $0x1C02  }
0x152: {  	[timem:s3], [sflag:s2] =	dma.local @!p0 [hbm:s0], s1  }
0x153: {  	s0 =	simm.s32 @!p0 $0x2  }
0x154: {  	_ =	swait.ge @!p0 [sflag:s0], s1  }
0x155: {  	s1 =	ssub.s32 @!p0 $0x0, s1;
	[sflag:s0] =	ssyncset.done @!p0 $0x0  }
0x156: {  	[sflag:s0] =	ssyncadd.s32 @!p0 s1  }
0x157: {  	[bflag:$0x3] =	sbarrier.arrive $0xFFFF  }
0x158: {  	_ =	shalt  }

</sc_bundles>
